<compile_context>
chip_gen: v7x
topology: tpu7x:2x2x1
jax: 0.10.2.dev20260603
libtpu: 0.0.44.dev20260713+nightly
codegen_flags: <defaults>
</compile_context>

<pallas_src>
import functools

import jax
import jax.numpy as jnp
from jax import lax
from jax.experimental import pallas as pl
from jax.experimental.pallas import tpu as pltpu
from jax.experimental.pallas import tpu_sc as plsc

B, N, EMB = 8, 512, 16
PAIRS = B * N
_NC, _NS = 2, 16
NW = _NC * _NS
PER_W = PAIRS // NW
ET, JT, EL, JL = 2, 4, 8, 128
BLK = ET * JT * EL * JL
TBL = 512 * EMB

_mesh = plsc.VectorSubcoreMesh(core_axis_name="c", subcore_axis_name="s")


@functools.partial(
    pl.kernel,
    mesh=_mesh,
    out_type=jax.ShapeDtypeStruct((B, N, BLK), jnp.float32),
    scratch_types=[
        pltpu.VMEM((TBL,), jnp.float32),
        pltpu.VMEM((2 * N,), jnp.int32),
        pltpu.VMEM((2 * BLK,), jnp.float32),
        pltpu.SemaphoreType.DMA,
        pltpu.SemaphoreType.DMA,
        pltpu.SemaphoreType.DMA,
        pltpu.SemaphoreType.DMA,
    ],
    compiler_params=pltpu.CompilerParams(
        use_tc_tiling_on_sc=False, needs_layout_passes=False
    ),
)
def _gather_kernel(table_hbm, idx_hbm, out_hbm, table_v, idx_v, rowsT,
                   sem_i0, sem_i1, sem_w0, sem_w1):
    wid = lax.axis_index("s") * _NC + lax.axis_index("c")
    base = wid * PER_W
    pltpu.sync_copy(table_hbm, table_v)
    sem_i = (sem_i0, sem_i1)
    sem_w = (sem_w0, sem_w1)

    def idx_src(p):
        return idx_hbm.at[p // N, p % N]

    pltpu.async_copy(idx_src(base), idx_v.at[pl.ds(0, N)], sem_i[0])

    def pair(g, carry):
        for k in (0, 1):
            s = 2 * g + k
            p = base + s
            b = p // N
            i = p % N
            pltpu.make_async_copy(
                idx_src(p), idx_v.at[pl.ds(k * N, N)], sem_i[k]).wait()
            @pl.when(s + 1 < PER_W)
            def _():
                pltpu.async_copy(
                    idx_src(p + 1), idx_v.at[pl.ds((1 - k) * N, N)],
                    sem_i[1 - k])
            @pl.when(s >= 2)
            def _():
                pltpu.make_async_copy(
                    rowsT.at[pl.ds(k * BLK, BLK)], out_hbm.at[b, i],
                    sem_w[k]).wait()
            kb = k * BLK
            kn = k * N

            @plsc.parallel_loop(0, N // 16, unroll=2)
            def _jb(jb):
                idxv = idx_v[pl.ds(kn + 16 * jb, 16)]
                fv = idxv * EMB
                col = jb * 16
                tilebase = (col // JL) * (EL * JL) + col % JL
                gs = [plsc.load_gather(table_v, [fv + e]) for e in range(EMB)]
                for e in range(EMB):
                    off = kb + (e // EL) * (JT * EL * JL) + (e % EL) * JL
                    rowsT[pl.ds(off + tilebase, 16)] = gs[e]
            pltpu.async_copy(
                rowsT.at[pl.ds(kb, BLK)], out_hbm.at[b, i], sem_w[k])
        return carry

    lax.fori_loop(0, PER_W // 2, pair, 0)
    for k in (0, 1):
        p = base + PER_W - 2 + k
        pltpu.make_async_copy(
            rowsT.at[pl.ds(k * BLK, BLK)], out_hbm.at[p // N, p % N],
            sem_w[k]).wait()


def kernel(spatial_pos, W):
    out3 = _gather_kernel(W.reshape(TBL), spatial_pos.astype(jnp.int32))
    out6 = out3.reshape(B, N, ET, JT, EL, JL)
    t = out6.transpose(0, 1, 3, 5, 2, 4)
    return t.reshape(B, N, N, EMB)

# --- scband reference (transcript-rebuilt; emitter-appended) ---
"""Pipeline reference for scband-spatial-encoding-54408645705924 (READ-ONLY COPY).

The authoritative reference and input builder live on the scoring server;
editing this copy changes nothing except your own understanding.
"""

import jax, jax.numpy as jnp
import numpy as np

B, N, EMB_DIM = 8, 512, 16
NUM_EMB = 512  # dim+1 where dim = max unique spatial_pos value (511)


def setup_inputs(seed: int = 0) -> dict:
    key = jax.random.key(seed)
    k_idx, k_w = jax.random.split(key)
    spatial_pos = jax.random.randint(k_idx, (B, N, N), 0, NUM_EMB)
    # torch.nn.Embedding(dim+1, emb_dim, padding_idx=0) then normal_(mean=0, std=0.02)
    # note: normal_ on .data overwrites the zeroed padding row, so row 0 is NOT zero
    W = jax.random.normal(k_w, (NUM_EMB, EMB_DIM), dtype=jnp.float32) * 0.02
    return {"spatial_pos": spatial_pos, "W": W}


def reference(spatial_pos, W):
    # batch.spatial_pos = self.encoder(batch.spatial_pos); return batch
    # faithful core computation: embedding gather
    newpos = jnp.take(W, spatial_pos, axis=0)  # [B, N, N, EMB_DIM]
    return newpos

if __name__ == "__main__":
    import jax
    _d = setup_inputs()
    print(jax.jit(kernel)(*tuple(_d.values())))

</pallas_src>

<mosaic_0001>
#map = affine_map<(d0, d1) -> (0)>
#map1 = affine_map<(d0, d1) -> (0, 0, 0)>
module attributes {stable_mosaic.version = 14 : i64} {
  func.func @_gather_kernel(%arg0: i32, %arg1: i32, %arg2: memref<8192xf32, #tpu.memory_space<hbm>>, %arg3: memref<8x512x512xi32, #tpu.memory_space<hbm>>, %arg4: memref<8x512x8192xf32, #tpu.memory_space<hbm>>, %arg5: memref<8192xf32, #tpu.memory_space<vmem>>, %arg6: memref<1024xi32, #tpu.memory_space<vmem>>, %arg7: memref<16384xf32, #tpu.memory_space<vmem>>, %arg8: memref<!tpu.dma_semaphore, #tpu.memory_space<semaphore_mem>>, %arg9: memref<!tpu.dma_semaphore, #tpu.memory_space<semaphore_mem>>, %arg10: memref<!tpu.dma_semaphore, #tpu.memory_space<semaphore_mem>>, %arg11: memref<!tpu.dma_semaphore, #tpu.memory_space<semaphore_mem>>) attributes {dimension_semantics = [#tpu.dimension_semantics<core_parallel>, #tpu.dimension_semantics<subcore_parallel>], iteration_bounds = array<i64: 2, 16>, scalar_prefetch = 0 : i64, scratch_operands = 7 : i64, tpu.core_type = #tpu.core_type<sc_vector_subcore>, window_params = [{transform_indices = #map}, {transform_indices = #map1}, {transform_indices = #map1}]} {
    %mul3A = arith.constant 2 : i32
    %mul3A_0 = arith.muli %arg1, %mul3A : i32
    %add3A = arith.addi %mul3A_0, %arg0 : i32
    %mul3A_1 = arith.constant 128 : i32
    %mul3A_2 = arith.muli %add3A, %mul3A_1 : i32
    "tpu.region"() ({
      %run_scoped3A = tpu.sem_alloc : memref<!tpu.dma_semaphore, #tpu.memory_space<semaphore_mem>>
      tpu.enqueue_dma source(%arg2 : memref<8192xf32, #tpu.memory_space<hbm>>) target(%arg5 : memref<8192xf32, #tpu.memory_space<vmem>>) target_semaphore(%run_scoped3A : memref<!tpu.dma_semaphore, #tpu.memory_space<semaphore_mem>>)
      tpu.wait_dma2 semaphore(%run_scoped3A : memref<!tpu.dma_semaphore, #tpu.memory_space<semaphore_mem>>) src(%arg2 : memref<8192xf32, #tpu.memory_space<hbm>>) dst(%arg5 : memref<8192xf32, #tpu.memory_space<vmem>>)
      tpu.yield
    }) : () -> ()
    %jit3A = arith.constant 512 : i32
    %div3A = arith.divsi %mul3A_2, %jit3A : i32
    %sign3A = arith.constant 0 : i32
    %sign3A_3 = arith.cmpi sgt, %mul3A_2, %sign3A : i32
    %sign3A_4 = arith.extui %sign3A_3 : i1 to i32
    %sign3A_5 = arith.constant 0 : i32
    %sign3A_6 = arith.cmpi slt, %mul3A_2, %sign3A_5 : i32
    %sign3A_7 = arith.extui %sign3A_6 : i1 to i32
    %sign3A_8 = arith.subi %sign3A_4, %sign3A_7 : i32
    %sign3A_9 = arith.constant 0 : i32
    %sign3A_10 = arith.cmpi sgt, %jit3A, %sign3A_9 : i32
    %sign3A_11 = arith.extui %sign3A_10 : i1 to i32
    %sign3A_12 = arith.constant 0 : i32
    %sign3A_13 = arith.cmpi slt, %jit3A, %sign3A_12 : i32
    %sign3A_14 = arith.extui %sign3A_13 : i1 to i32
    %sign3A_15 = arith.subi %sign3A_11, %sign3A_14 : i32
    %ne3A = arith.cmpi ne, %sign3A_8, %sign3A_15 : i32
    %rem3A = arith.remsi %mul3A_2, %jit3A : i32
    %ne3A_16 = arith.constant 0 : i32
    %ne3A_17 = arith.cmpi ne, %rem3A, %ne3A_16 : i32
    %and3A = arith.andi %ne3A, %ne3A_17 : i1
    %sub3A = arith.constant 1 : i32
    %sub3A_18 = arith.subi %div3A, %sub3A : i32
    %select_n3A = arith.select %and3A, %sub3A_18, %div3A : i32
    %jit3A_19 = arith.constant 512 : i32
    %eq3A = arith.constant 0 : i32
    %eq3A_20 = arith.cmpi eq, %jit3A_19, %eq3A : i32
    %jit3A_21 = arith.constant 1 : i32
    %select_n3A_22 = arith.select %eq3A_20, %jit3A_21, %jit3A_19 : i32
    %rem3A_23 = arith.remsi %mul3A_2, %select_n3A_22 : i32
    %ne3A_24 = arith.constant 0 : i32
    %ne3A_25 = arith.cmpi ne, %rem3A_23, %ne3A_24 : i32
    %lt3A = arith.constant 0 : i32
    %lt3A_26 = arith.cmpi slt, %rem3A_23, %lt3A : i32
    %lt3A_27 = arith.constant 0 : i32
    %lt3A_28 = arith.cmpi slt, %select_n3A_22, %lt3A_27 : i32
    %ne3A_29 = arith.xori %lt3A_26, %lt3A_28 : i1
    %and3A_30 = arith.andi %ne3A_29, %ne3A_25 : i1
    %add3A_31 = arith.addi %rem3A_23, %select_n3A_22 : i32
    %select_n3A_32 = arith.select %and3A_30, %add3A_31, %rem3A_23 : i32
    %dma_start3A = arith.constant 0 : i32
    %dma_start3A_33 = tpu.memref_slice %arg6[%dma_start3A] : memref<1024xi32, #tpu.memory_space<vmem>> -> memref<512xi32, #tpu.memory_space<vmem>>
    %dma_start3A_34 = arith.constant 0 : i32
    %dma_start3A_35 = tpu.memref_slice %arg3[%select_n3A, %select_n3A_32, %dma_start3A_34] : memref<8x512x512xi32, #tpu.memory_space<hbm>> -> memref<1x1x512xi32, #tpu.memory_space<hbm>>
    %dma_start3A_36 = tpu.memref_squeeze %dma_start3A_35 : memref<1x1x512xi32, #tpu.memory_space<hbm>> -> memref<512xi32, #tpu.memory_space<hbm>>
    %dma_start3A_37 = arith.constant 0 : i32
    %dma_start3A_38 = tpu.memref_slice %arg6[%dma_start3A_37] : memref<1024xi32, #tpu.memory_space<vmem>> -> memref<512xi32, #tpu.memory_space<vmem>>
    %dma_start3A_39 = arith.constant 0 : i32
    %dma_start3A_40 = tpu.memref_slice %arg3[%select_n3A, %select_n3A_32, %dma_start3A_39] : memref<8x512x512xi32, #tpu.memory_space<hbm>> -> memref<1x1x512xi32, #tpu.memory_space<hbm>>
    %dma_start3A_41 = tpu.memref_squeeze %dma_start3A_40 : memref<1x1x512xi32, #tpu.memory_space<hbm>> -> memref<512xi32, #tpu.memory_space<hbm>>
    tpu.enqueue_dma source(%dma_start3A_41 : memref<512xi32, #tpu.memory_space<hbm>>) target(%dma_start3A_38 : memref<512xi32, #tpu.memory_space<vmem>>) target_semaphore(%arg8 : memref<!tpu.dma_semaphore, #tpu.memory_space<semaphore_mem>>)
    %scan3A = arith.constant 0 : i32
    %scan3A_42 = arith.constant 0 : i32
    %scan3A_43 = arith.constant 64 : i32
    %scan3A_44 = arith.addi %scan3A_42, %scan3A_43 : i32
    %scan3A_45 = arith.constant 1 : i32
    scf.for %scan3A_158 = %scan3A_42 to %scan3A_44 step %scan3A_45  : i32 {
      %mul3A_159 = arith.constant 2 : i32
      %mul3A_160 = arith.muli %mul3A_159, %scan3A_158 : i32
      %add3A_161 = arith.constant 0 : i32
      %add3A_162 = arith.addi %mul3A_160, %add3A_161 : i32
      %add3A_163 = arith.addi %mul3A_2, %add3A_162 : i32
      %jit3A_164 = arith.constant 512 : i32
      %div3A_165 = arith.divsi %add3A_163, %jit3A_164 : i32
      %sign3A_166 = arith.constant 0 : i32
      %sign3A_167 = arith.cmpi sgt, %add3A_163, %sign3A_166 : i32
      %sign3A_168 = arith.extui %sign3A_167 : i1 to i32
      %sign3A_169 = arith.constant 0 : i32
      %sign3A_170 = arith.cmpi slt, %add3A_163, %sign3A_169 : i32
      %sign3A_171 = arith.extui %sign3A_170 : i1 to i32
      %sign3A_172 = arith.subi %sign3A_168, %sign3A_171 : i32
      %sign3A_173 = arith.constant 0 : i32
      %sign3A_174 = arith.cmpi sgt, %jit3A_164, %sign3A_173 : i32
      %sign3A_175 = arith.extui %sign3A_174 : i1 to i32
      %sign3A_176 = arith.constant 0 : i32
      %sign3A_177 = arith.cmpi slt, %jit3A_164, %sign3A_176 : i32
      %sign3A_178 = arith.extui %sign3A_177 : i1 to i32
      %sign3A_179 = arith.subi %sign3A_175, %sign3A_178 : i32
      %ne3A_180 = arith.cmpi ne, %sign3A_172, %sign3A_179 : i32
      %rem3A_181 = arith.remsi %add3A_163, %jit3A_164 : i32
      %ne3A_182 = arith.constant 0 : i32
      %ne3A_183 = arith.cmpi ne, %rem3A_181, %ne3A_182 : i32
      %and3A_184 = arith.andi %ne3A_180, %ne3A_183 : i1
      %sub3A_185 = arith.constant 1 : i32
      %sub3A_186 = arith.subi %div3A_165, %sub3A_185 : i32
      %select_n3A_187 = arith.select %and3A_184, %sub3A_186, %div3A_165 : i32
      %jit3A_188 = arith.constant 512 : i32
      %eq3A_189 = arith.constant 0 : i32
      %eq3A_190 = arith.cmpi eq, %jit3A_188, %eq3A_189 : i32
      %jit3A_191 = arith.constant 1 : i32
      %select_n3A_192 = arith.select %eq3A_190, %jit3A_191, %jit3A_188 : i32
      %rem3A_193 = arith.remsi %add3A_163, %select_n3A_192 : i32
      %ne3A_194 = arith.constant 0 : i32
      %ne3A_195 = arith.cmpi ne, %rem3A_193, %ne3A_194 : i32
      %lt3A_196 = arith.constant 0 : i32
      %lt3A_197 = arith.cmpi slt, %rem3A_193, %lt3A_196 : i32
      %lt3A_198 = arith.constant 0 : i32
      %lt3A_199 = arith.cmpi slt, %select_n3A_192, %lt3A_198 : i32
      %ne3A_200 = arith.xori %lt3A_197, %lt3A_199 : i1
      %and3A_201 = arith.andi %ne3A_200, %ne3A_195 : i1
      %add3A_202 = arith.addi %rem3A_193, %select_n3A_192 : i32
      %select_n3A_203 = arith.select %and3A_201, %add3A_202, %rem3A_193 : i32
      %jit3A_204 = arith.constant 512 : i32
      %div3A_205 = arith.divsi %add3A_163, %jit3A_204 : i32
      %sign3A_206 = arith.constant 0 : i32
      %sign3A_207 = arith.cmpi sgt, %add3A_163, %sign3A_206 : i32
      %sign3A_208 = arith.extui %sign3A_207 : i1 to i32
      %sign3A_209 = arith.constant 0 : i32
      %sign3A_210 = arith.cmpi slt, %add3A_163, %sign3A_209 : i32
      %sign3A_211 = arith.extui %sign3A_210 : i1 to i32
      %sign3A_212 = arith.subi %sign3A_208, %sign3A_211 : i32
      %sign3A_213 = arith.constant 0 : i32
      %sign3A_214 = arith.cmpi sgt, %jit3A_204, %sign3A_213 : i32
      %sign3A_215 = arith.extui %sign3A_214 : i1 to i32
      %sign3A_216 = arith.constant 0 : i32
      %sign3A_217 = arith.cmpi slt, %jit3A_204, %sign3A_216 : i32
      %sign3A_218 = arith.extui %sign3A_217 : i1 to i32
      %sign3A_219 = arith.subi %sign3A_215, %sign3A_218 : i32
      %ne3A_220 = arith.cmpi ne, %sign3A_212, %sign3A_219 : i32
      %rem3A_221 = arith.remsi %add3A_163, %jit3A_204 : i32
      %ne3A_222 = arith.constant 0 : i32
      %ne3A_223 = arith.cmpi ne, %rem3A_221, %ne3A_222 : i32
      %and3A_224 = arith.andi %ne3A_220, %ne3A_223 : i1
      %sub3A_225 = arith.constant 1 : i32
      %sub3A_226 = arith.subi %div3A_205, %sub3A_225 : i32
      %select_n3A_227 = arith.select %and3A_224, %sub3A_226, %div3A_205 : i32
      %jit3A_228 = arith.constant 512 : i32
      %eq3A_229 = arith.constant 0 : i32
      %eq3A_230 = arith.cmpi eq, %jit3A_228, %eq3A_229 : i32
      %jit3A_231 = arith.constant 1 : i32
      %select_n3A_232 = arith.select %eq3A_230, %jit3A_231, %jit3A_228 : i32
      %rem3A_233 = arith.remsi %add3A_163, %select_n3A_232 : i32
      %ne3A_234 = arith.constant 0 : i32
      %ne3A_235 = arith.cmpi ne, %rem3A_233, %ne3A_234 : i32
      %lt3A_236 = arith.constant 0 : i32
      %lt3A_237 = arith.cmpi slt, %rem3A_233, %lt3A_236 : i32
      %lt3A_238 = arith.constant 0 : i32
      %lt3A_239 = arith.cmpi slt, %select_n3A_232, %lt3A_238 : i32
      %ne3A_240 = arith.xori %lt3A_237, %lt3A_239 : i1
      %and3A_241 = arith.andi %ne3A_240, %ne3A_235 : i1
      %add3A_242 = arith.addi %rem3A_233, %select_n3A_232 : i32
      %select_n3A_243 = arith.select %and3A_241, %add3A_242, %rem3A_233 : i32
      %dma_wait3A_244 = arith.constant 0 : i32
      %dma_wait3A_245 = tpu.memref_slice %arg6[%dma_wait3A_244] : memref<1024xi32, #tpu.memory_space<vmem>> -> memref<512xi32, #tpu.memory_space<vmem>>
      %dma_wait3A_246 = arith.constant 0 : i32
      %dma_wait3A_247 = tpu.memref_slice %arg3[%select_n3A_227, %select_n3A_243, %dma_wait3A_246] : memref<8x512x512xi32, #tpu.memory_space<hbm>> -> memref<1x1x512xi32, #tpu.memory_space<hbm>>
      %dma_wait3A_248 = tpu.memref_squeeze %dma_wait3A_247 : memref<1x1x512xi32, #tpu.memory_space<hbm>> -> memref<512xi32, #tpu.memory_space<hbm>>
      %dma_wait3A_249 = arith.constant 0 : i32
      %dma_wait3A_250 = tpu.memref_slice %arg6[%dma_wait3A_249] : memref<1024xi32, #tpu.memory_space<vmem>> -> memref<512xi32, #tpu.memory_space<vmem>>
      %dma_wait3A_251 = arith.constant 0 : i32
      %dma_wait3A_252 = tpu.memref_slice %arg3[%select_n3A_227, %select_n3A_243, %dma_wait3A_251] : memref<8x512x512xi32, #tpu.memory_space<hbm>> -> memref<1x1x512xi32, #tpu.memory_space<hbm>>
      %dma_wait3A_253 = tpu.memref_squeeze %dma_wait3A_252 : memref<1x1x512xi32, #tpu.memory_space<hbm>> -> memref<512xi32, #tpu.memory_space<hbm>>
      tpu.wait_dma2 semaphore(%arg8 : memref<!tpu.dma_semaphore, #tpu.memory_space<semaphore_mem>>) src(%dma_wait3A_253 : memref<512xi32, #tpu.memory_space<hbm>>) dst(%dma_wait3A_250 : memref<512xi32, #tpu.memory_space<vmem>>)
      %add3A_254 = arith.constant 1 : i32
      %add3A_255 = arith.addi %add3A_162, %add3A_254 : i32
      %lt3A_256 = arith.constant 128 : i32
      %lt3A_257 = arith.cmpi slt, %add3A_255, %lt3A_256 : i32
      %convert_element_type3A = arith.extui %lt3A_257 : i1 to i32
      %cond3A = arith.constant 0 : i32
      %cond3A_258 = arith.cmpi ne, %convert_element_type3A, %cond3A : i32
      scf.if %cond3A_258 {
        %add3A_395 = arith.constant 1 : i32
        %add3A_396 = arith.addi %add3A_163, %add3A_395 : i32
        %jit3A_397 = arith.constant 512 : i32
        %div3A_398 = arith.divsi %add3A_396, %jit3A_397 : i32
        %sign3A_399 = arith.constant 0 : i32
        %sign3A_400 = arith.cmpi sgt, %add3A_396, %sign3A_399 : i32
        %sign3A_401 = arith.extui %sign3A_400 : i1 to i32
        %sign3A_402 = arith.constant 0 : i32
        %sign3A_403 = arith.cmpi slt, %add3A_396, %sign3A_402 : i32
        %sign3A_404 = arith.extui %sign3A_403 : i1 to i32
        %sign3A_405 = arith.subi %sign3A_401, %sign3A_404 : i32
        %sign3A_406 = arith.constant 0 : i32
        %sign3A_407 = arith.cmpi sgt, %jit3A_397, %sign3A_406 : i32
        %sign3A_408 = arith.extui %sign3A_407 : i1 to i32
        %sign3A_409 = arith.constant 0 : i32
        %sign3A_410 = arith.cmpi slt, %jit3A_397, %sign3A_409 : i32
        %sign3A_411 = arith.extui %sign3A_410 : i1 to i32
        %sign3A_412 = arith.subi %sign3A_408, %sign3A_411 : i32
        %ne3A_413 = arith.cmpi ne, %sign3A_405, %sign3A_412 : i32
        %rem3A_414 = arith.remsi %add3A_396, %jit3A_397 : i32
        %ne3A_415 = arith.constant 0 : i32
        %ne3A_416 = arith.cmpi ne, %rem3A_414, %ne3A_415 : i32
        %and3A_417 = arith.andi %ne3A_413, %ne3A_416 : i1
        %sub3A_418 = arith.constant 1 : i32
        %sub3A_419 = arith.subi %div3A_398, %sub3A_418 : i32
        %select_n3A_420 = arith.select %and3A_417, %sub3A_419, %div3A_398 : i32
        %jit3A_421 = arith.constant 512 : i32
        %eq3A_422 = arith.constant 0 : i32
        %eq3A_423 = arith.cmpi eq, %jit3A_421, %eq3A_422 : i32
        %jit3A_424 = arith.constant 1 : i32
        %select_n3A_425 = arith.select %eq3A_423, %jit3A_424, %jit3A_421 : i32
        %rem3A_426 = arith.remsi %add3A_396, %select_n3A_425 : i32
        %ne3A_427 = arith.constant 0 : i32
        %ne3A_428 = arith.cmpi ne, %rem3A_426, %ne3A_427 : i32
        %lt3A_429 = arith.constant 0 : i32
        %lt3A_430 = arith.cmpi slt, %rem3A_426, %lt3A_429 : i32
        %lt3A_431 = arith.constant 0 : i32
        %lt3A_432 = arith.cmpi slt, %select_n3A_425, %lt3A_431 : i32
        %ne3A_433 = arith.xori %lt3A_430, %lt3A_432 : i1
        %and3A_434 = arith.andi %ne3A_433, %ne3A_428 : i1
        %add3A_435 = arith.addi %rem3A_426, %select_n3A_425 : i32
        %select_n3A_436 = arith.select %and3A_434, %add3A_435, %rem3A_426 : i32
        %dma_start3A_437 = arith.constant 512 : i32
        %dma_start3A_438 = tpu.memref_slice %arg6[%dma_start3A_437] : memref<1024xi32, #tpu.memory_space<vmem>> -> memref<512xi32, #tpu.memory_space<vmem>>
        %dma_start3A_439 = arith.constant 0 : i32
        %dma_start3A_440 = tpu.memref_slice %arg3[%select_n3A_420, %select_n3A_436, %dma_start3A_439] : memref<8x512x512xi32, #tpu.memory_space<hbm>> -> memref<1x1x512xi32, #tpu.memory_space<hbm>>
        %dma_start3A_441 = tpu.memref_squeeze %dma_start3A_440 : memref<1x1x512xi32, #tpu.memory_space<hbm>> -> memref<512xi32, #tpu.memory_space<hbm>>
        %dma_start3A_442 = arith.constant 512 : i32
        %dma_start3A_443 = tpu.memref_slice %arg6[%dma_start3A_442] : memref<1024xi32, #tpu.memory_space<vmem>> -> memref<512xi32, #tpu.memory_space<vmem>>
        %dma_start3A_444 = arith.constant 0 : i32
        %dma_start3A_445 = tpu.memref_slice %arg3[%select_n3A_420, %select_n3A_436, %dma_start3A_444] : memref<8x512x512xi32, #tpu.memory_space<hbm>> -> memref<1x1x512xi32, #tpu.memory_space<hbm>>
        %dma_start3A_446 = tpu.memref_squeeze %dma_start3A_445 : memref<1x1x512xi32, #tpu.memory_space<hbm>> -> memref<512xi32, #tpu.memory_space<hbm>>
        tpu.enqueue_dma source(%dma_start3A_446 : memref<512xi32, #tpu.memory_space<hbm>>) target(%dma_start3A_443 : memref<512xi32, #tpu.memory_space<vmem>>) target_semaphore(%arg9 : memref<!tpu.dma_semaphore, #tpu.memory_space<semaphore_mem>>)
      } else {
      }
      %ge3A = arith.constant 2 : i32
      %ge3A_259 = arith.cmpi sge, %add3A_162, %ge3A : i32
      %convert_element_type3A_260 = arith.extui %ge3A_259 : i1 to i32
      %cond3A_261 = arith.constant 0 : i32
      %cond3A_262 = arith.cmpi ne, %convert_element_type3A_260, %cond3A_261 : i32
      scf.if %cond3A_262 {
        %dma_wait3A_395 = arith.constant 0 : i32
        %dma_wait3A_396 = tpu.memref_slice %arg7[%dma_wait3A_395] : memref<16384xf32, #tpu.memory_space<vmem>> -> memref<8192xf32, #tpu.memory_space<vmem>>
        %dma_wait3A_397 = arith.constant 0 : i32
        %dma_wait3A_398 = tpu.memref_slice %arg4[%select_n3A_187, %select_n3A_203, %dma_wait3A_397] : memref<8x512x8192xf32, #tpu.memory_space<hbm>> -> memref<1x1x8192xf32, #tpu.memory_space<hbm>>
        %dma_wait3A_399 = tpu.memref_squeeze %dma_wait3A_398 : memref<1x1x8192xf32, #tpu.memory_space<hbm>> -> memref<8192xf32, #tpu.memory_space<hbm>>
        %dma_wait3A_400 = arith.constant 0 : i32
        %dma_wait3A_401 = tpu.memref_slice %arg4[%select_n3A_187, %select_n3A_203, %dma_wait3A_400] : memref<8x512x8192xf32, #tpu.memory_space<hbm>> -> memref<1x1x8192xf32, #tpu.memory_space<hbm>>
        %dma_wait3A_402 = tpu.memref_squeeze %dma_wait3A_401 : memref<1x1x8192xf32, #tpu.memory_space<hbm>> -> memref<8192xf32, #tpu.memory_space<hbm>>
        %dma_wait3A_403 = arith.constant 0 : i32
        %dma_wait3A_404 = tpu.memref_slice %arg7[%dma_wait3A_403] : memref<16384xf32, #tpu.memory_space<vmem>> -> memref<8192xf32, #tpu.memory_space<vmem>>
        tpu.wait_dma2 semaphore(%arg10 : memref<!tpu.dma_semaphore, #tpu.memory_space<semaphore_mem>>) src(%dma_wait3A_404 : memref<8192xf32, #tpu.memory_space<vmem>>) dst(%dma_wait3A_402 : memref<8192xf32, #tpu.memory_space<hbm>>)
      } else {
      }
      %parallel_loop3A = arith.constant 0 : i32
      %parallel_loop3A_263 = arith.constant 32 : i32
      %parallel_loop3A_264 = arith.constant 1 : i32
      scf.for %parallel_loop3A_395 = %parallel_loop3A to %parallel_loop3A_263 step %parallel_loop3A_264  : i32 {
        %parallel_loop3A_396 = arith.constant 16 : i32
        %parallel_loop3A_397 = arith.muli %parallel_loop3A_396, %parallel_loop3A_395 : i32
        %parallel_loop3A_398 = arith.constant 0 : i32
        %parallel_loop3A_399 = arith.addi %parallel_loop3A_398, %parallel_loop3A_397 : i32
        %parallel_loop3A_400 = arith.index_cast %parallel_loop3A_399 : i32 to index
        %parallel_loop3A_401 = tpu.vector_load %arg6[%parallel_loop3A_400] {strides = array<i32>} : memref<1024xi32, #tpu.memory_space<vmem>>, vector<16xi32>,
        %parallel_loop3A_402 = arith.constant 16 : i32
        %parallel_loop3A_403 = vector.broadcast %parallel_loop3A_402 : i32 to vector<16xi32>
        %parallel_loop3A_404 = arith.muli %parallel_loop3A_401, %parallel_loop3A_403 : vector<16xi32>
        %parallel_loop3A_405 = arith.constant 16 : i32
        %parallel_loop3A_406 = arith.muli %parallel_loop3A_395, %parallel_loop3A_405 : i32
        %parallel_loop3A_407 = arith.constant 128 : i32
        %parallel_loop3A_408 = arith.divsi %parallel_loop3A_406, %parallel_loop3A_407 : i32
        %parallel_loop3A_409 = arith.constant 0 : i32
        %parallel_loop3A_410 = arith.cmpi sgt, %parallel_loop3A_406, %parallel_loop3A_409 : i32
        %parallel_loop3A_411 = arith.extui %parallel_loop3A_410 : i1 to i32
        %parallel_loop3A_412 = arith.constant 0 : i32
        %parallel_loop3A_413 = arith.cmpi slt, %parallel_loop3A_406, %parallel_loop3A_412 : i32
        %parallel_loop3A_414 = arith.extui %parallel_loop3A_413 : i1 to i32
        %parallel_loop3A_415 = arith.subi %parallel_loop3A_411, %parallel_loop3A_414 : i32
        %parallel_loop3A_416 = arith.constant 0 : i32
        %parallel_loop3A_417 = arith.cmpi sgt, %parallel_loop3A_407, %parallel_loop3A_416 : i32
        %parallel_loop3A_418 = arith.extui %parallel_loop3A_417 : i1 to i32
        %parallel_loop3A_419 = arith.constant 0 : i32
        %parallel_loop3A_420 = arith.cmpi slt, %parallel_loop3A_407, %parallel_loop3A_419 : i32
        %parallel_loop3A_421 = arith.extui %parallel_loop3A_420 : i1 to i32
        %parallel_loop3A_422 = arith.subi %parallel_loop3A_418, %parallel_loop3A_421 : i32
        %parallel_loop3A_423 = arith.cmpi ne, %parallel_loop3A_415, %parallel_loop3A_422 : i32
        %parallel_loop3A_424 = arith.remsi %parallel_loop3A_406, %parallel_loop3A_407 : i32
        %parallel_loop3A_425 = arith.constant 0 : i32
        %parallel_loop3A_426 = arith.cmpi ne, %parallel_loop3A_424, %parallel_loop3A_425 : i32
        %parallel_loop3A_427 = arith.andi %parallel_loop3A_423, %parallel_loop3A_426 : i1
        %parallel_loop3A_428 = arith.constant 1 : i32
        %parallel_loop3A_429 = arith.subi %parallel_loop3A_408, %parallel_loop3A_428 : i32
        %parallel_loop3A_430 = arith.select %parallel_loop3A_427, %parallel_loop3A_429, %parallel_loop3A_408 : i32
        %parallel_loop3A_431 = arith.constant 1024 : i32
        %parallel_loop3A_432 = arith.muli %parallel_loop3A_430, %parallel_loop3A_431 : i32
        %parallel_loop3A_433 = arith.constant 128 : i32
        %parallel_loop3A_434 = arith.constant 0 : i32
        %parallel_loop3A_435 = arith.cmpi eq, %parallel_loop3A_433, %parallel_loop3A_434 : i32
        %parallel_loop3A_436 = arith.constant 1 : i32
        %parallel_loop3A_437 = arith.select %parallel_loop3A_435, %parallel_loop3A_436, %parallel_loop3A_433 : i32
        %parallel_loop3A_438 = arith.remsi %parallel_loop3A_406, %parallel_loop3A_437 : i32
        %parallel_loop3A_439 = arith.constant 0 : i32
        %parallel_loop3A_440 = arith.cmpi ne, %parallel_loop3A_438, %parallel_loop3A_439 : i32
        %parallel_loop3A_441 = arith.constant 0 : i32
        %parallel_loop3A_442 = arith.cmpi slt, %parallel_loop3A_438, %parallel_loop3A_441 : i32
        %parallel_loop3A_443 = arith.constant 0 : i32
        %parallel_loop3A_444 = arith.cmpi slt, %parallel_loop3A_437, %parallel_loop3A_443 : i32
        %parallel_loop3A_445 = arith.xori %parallel_loop3A_442, %parallel_loop3A_444 : i1
        %parallel_loop3A_446 = arith.andi %parallel_loop3A_445, %parallel_loop3A_440 : i1
        %parallel_loop3A_447 = arith.addi %parallel_loop3A_438, %parallel_loop3A_437 : i32
        %parallel_loop3A_448 = arith.select %parallel_loop3A_446, %parallel_loop3A_447, %parallel_loop3A_438 : i32
        %parallel_loop3A_449 = arith.addi %parallel_loop3A_432, %parallel_loop3A_448 : i32
        %parallel_loop3A_450 = arith.constant 0 : i32
        %parallel_loop3A_451 = vector.broadcast %parallel_loop3A_450 : i32 to vector<16xi32>
        %parallel_loop3A_452 = arith.addi %parallel_loop3A_404, %parallel_loop3A_451 : vector<16xi32>
        %parallel_loop3A_453 = tpu.vector_load_idx %arg5[%parallel_loop3A_452] : memref<8192xf32, #tpu.memory_space<vmem>>[vector<16xi32>], vector<16xf32>,
        %parallel_loop3A_454 = arith.constant 1 : i32
        %parallel_loop3A_455 = vector.broadcast %parallel_loop3A_454 : i32 to vector<16xi32>
        %parallel_loop3A_456 = arith.addi %parallel_loop3A_404, %parallel_loop3A_455 : vector<16xi32>
        %parallel_loop3A_457 = tpu.vector_load_idx %arg5[%parallel_loop3A_456] : memref<8192xf32, #tpu.memory_space<vmem>>[vector<16xi32>], vector<16xf32>,
        %parallel_loop3A_458 = arith.constant 2 : i32
        %parallel_loop3A_459 = vector.broadcast %parallel_loop3A_458 : i32 to vector<16xi32>
        %parallel_loop3A_460 = arith.addi %parallel_loop3A_404, %parallel_loop3A_459 : vector<16xi32>
        %parallel_loop3A_461 = tpu.vector_load_idx %arg5[%parallel_loop3A_460] : memref<8192xf32, #tpu.memory_space<vmem>>[vector<16xi32>], vector<16xf32>,
        %parallel_loop3A_462 = arith.constant 3 : i32
        %parallel_loop3A_463 = vector.broadcast %parallel_loop3A_462 : i32 to vector<16xi32>
        %parallel_loop3A_464 = arith.addi %parallel_loop3A_404, %parallel_loop3A_463 : vector<16xi32>
        %parallel_loop3A_465 = tpu.vector_load_idx %arg5[%parallel_loop3A_464] : memref<8192xf32, #tpu.memory_space<vmem>>[vector<16xi32>], vector<16xf32>,
        %parallel_loop3A_466 = arith.constant 4 : i32
        %parallel_loop3A_467 = vector.broadcast %parallel_loop3A_466 : i32 to vector<16xi32>
        %parallel_loop3A_468 = arith.addi %parallel_loop3A_404, %parallel_loop3A_467 : vector<16xi32>
        %parallel_loop3A_469 = tpu.vector_load_idx %arg5[%parallel_loop3A_468] : memref<8192xf32, #tpu.memory_space<vmem>>[vector<16xi32>], vector<16xf32>,
        %parallel_loop3A_470 = arith.constant 5 : i32
        %parallel_loop3A_471 = vector.broadcast %parallel_loop3A_470 : i32 to vector<16xi32>
        %parallel_loop3A_472 = arith.addi %parallel_loop3A_404, %parallel_loop3A_471 : vector<16xi32>
        %parallel_loop3A_473 = tpu.vector_load_idx %arg5[%parallel_loop3A_472] : memref<8192xf32, #tpu.memory_space<vmem>>[vector<16xi32>], vector<16xf32>,
        %parallel_loop3A_474 = arith.constant 6 : i32
        %parallel_loop3A_475 = vector.broadcast %parallel_loop3A_474 : i32 to vector<16xi32>
        %parallel_loop3A_476 = arith.addi %parallel_loop3A_404, %parallel_loop3A_475 : vector<16xi32>
        %parallel_loop3A_477 = tpu.vector_load_idx %arg5[%parallel_loop3A_476] : memref<8192xf32, #tpu.memory_space<vmem>>[vector<16xi32>], vector<16xf32>,
        %parallel_loop3A_478 = arith.constant 7 : i32
        %parallel_loop3A_479 = vector.broadcast %parallel_loop3A_478 : i32 to vector<16xi32>
        %parallel_loop3A_480 = arith.addi %parallel_loop3A_404, %parallel_loop3A_479 : vector<16xi32>
        %parallel_loop3A_481 = tpu.vector_load_idx %arg5[%parallel_loop3A_480] : memref<8192xf32, #tpu.memory_space<vmem>>[vector<16xi32>], vector<16xf32>,
        %parallel_loop3A_482 = arith.constant 8 : i32
        %parallel_loop3A_483 = vector.broadcast %parallel_loop3A_482 : i32 to vector<16xi32>
        %parallel_loop3A_484 = arith.addi %parallel_loop3A_404, %parallel_loop3A_483 : vector<16xi32>
        %parallel_loop3A_485 = tpu.vector_load_idx %arg5[%parallel_loop3A_484] : memref<8192xf32, #tpu.memory_space<vmem>>[vector<16xi32>], vector<16xf32>,
        %parallel_loop3A_486 = arith.constant 9 : i32
        %parallel_loop3A_487 = vector.broadcast %parallel_loop3A_486 : i32 to vector<16xi32>
        %parallel_loop3A_488 = arith.addi %parallel_loop3A_404, %parallel_loop3A_487 : vector<16xi32>
        %parallel_loop3A_489 = tpu.vector_load_idx %arg5[%parallel_loop3A_488] : memref<8192xf32, #tpu.memory_space<vmem>>[vector<16xi32>], vector<16xf32>,
        %parallel_loop3A_490 = arith.constant 10 : i32
        %parallel_loop3A_491 = vector.broadcast %parallel_loop3A_490 : i32 to vector<16xi32>
        %parallel_loop3A_492 = arith.addi %parallel_loop3A_404, %parallel_loop3A_491 : vector<16xi32>
        %parallel_loop3A_493 = tpu.vector_load_idx %arg5[%parallel_loop3A_492] : memref<8192xf32, #tpu.memory_space<vmem>>[vector<16xi32>], vector<16xf32>,
        %parallel_loop3A_494 = arith.constant 11 : i32
        %parallel_loop3A_495 = vector.broadcast %parallel_loop3A_494 : i32 to vector<16xi32>
        %parallel_loop3A_496 = arith.addi %parallel_loop3A_404, %parallel_loop3A_495 : vector<16xi32>
        %parallel_loop3A_497 = tpu.vector_load_idx %arg5[%parallel_loop3A_496] : memref<8192xf32, #tpu.memory_space<vmem>>[vector<16xi32>], vector<16xf32>,
        %parallel_loop3A_498 = arith.constant 12 : i32
        %parallel_loop3A_499 = vector.broadcast %parallel_loop3A_498 : i32 to vector<16xi32>
        %parallel_loop3A_500 = arith.addi %parallel_loop3A_404, %parallel_loop3A_499 : vector<16xi32>
        %parallel_loop3A_501 = tpu.vector_load_idx %arg5[%parallel_loop3A_500] : memref<8192xf32, #tpu.memory_space<vmem>>[vector<16xi32>], vector<16xf32>,
        %parallel_loop3A_502 = arith.constant 13 : i32
        %parallel_loop3A_503 = vector.broadcast %parallel_loop3A_502 : i32 to vector<16xi32>
        %parallel_loop3A_504 = arith.addi %parallel_loop3A_404, %parallel_loop3A_503 : vector<16xi32>
        %parallel_loop3A_505 = tpu.vector_load_idx %arg5[%parallel_loop3A_504] : memref<8192xf32, #tpu.memory_space<vmem>>[vector<16xi32>], vector<16xf32>,
        %parallel_loop3A_506 = arith.constant 14 : i32
        %parallel_loop3A_507 = vector.broadcast %parallel_loop3A_506 : i32 to vector<16xi32>
        %parallel_loop3A_508 = arith.addi %parallel_loop3A_404, %parallel_loop3A_507 : vector<16xi32>
        %parallel_loop3A_509 = tpu.vector_load_idx %arg5[%parallel_loop3A_508] : memref<8192xf32, #tpu.memory_space<vmem>>[vector<16xi32>], vector<16xf32>,
        %parallel_loop3A_510 = arith.constant 15 : i32
        %parallel_loop3A_511 = vector.broadcast %parallel_loop3A_510 : i32 to vector<16xi32>
        %parallel_loop3A_512 = arith.addi %parallel_loop3A_404, %parallel_loop3A_511 : vector<16xi32>
        %parallel_loop3A_513 = tpu.vector_load_idx %arg5[%parallel_loop3A_512] : memref<8192xf32, #tpu.memory_space<vmem>>[vector<16xi32>], vector<16xf32>,
        %parallel_loop3A_514 = arith.constant 0 : i32
        %parallel_loop3A_515 = arith.addi %parallel_loop3A_514, %parallel_loop3A_449 : i32
        %parallel_loop3A_516 = arith.index_cast %parallel_loop3A_515 : i32 to index
        %parallel_loop3A_517 = tpu.vector_load %arg7[%parallel_loop3A_516] {strides = array<i32>} : memref<16384xf32, #tpu.memory_space<vmem>>, vector<16xf32>,
        tpu.vector_store %arg7[%parallel_loop3A_516], %parallel_loop3A_453 {strides = array<i32>} : memref<16384xf32, #tpu.memory_space<vmem>>, vector<16xf32>,
        %parallel_loop3A_518 = arith.constant 128 : i32
        %parallel_loop3A_519 = arith.addi %parallel_loop3A_518, %parallel_loop3A_449 : i32
        %parallel_loop3A_520 = arith.index_cast %parallel_loop3A_519 : i32 to index
        %parallel_loop3A_521 = tpu.vector_load %arg7[%parallel_loop3A_520] {strides = array<i32>} : memref<16384xf32, #tpu.memory_space<vmem>>, vector<16xf32>,
        tpu.vector_store %arg7[%parallel_loop3A_520], %parallel_loop3A_457 {strides = array<i32>} : memref<16384xf32, #tpu.memory_space<vmem>>, vector<16xf32>,
        %parallel_loop3A_522 = arith.constant 256 : i32
        %parallel_loop3A_523 = arith.addi %parallel_loop3A_522, %parallel_loop3A_449 : i32
        %parallel_loop3A_524 = arith.index_cast %parallel_loop3A_523 : i32 to index
        %parallel_loop3A_525 = tpu.vector_load %arg7[%parallel_loop3A_524] {strides = array<i32>} : memref<16384xf32, #tpu.memory_space<vmem>>, vector<16xf32>,
        tpu.vector_store %arg7[%parallel_loop3A_524], %parallel_loop3A_461 {strides = array<i32>} : memref<16384xf32, #tpu.memory_space<vmem>>, vector<16xf32>,
        %parallel_loop3A_526 = arith.constant 384 : i32
        %parallel_loop3A_527 = arith.addi %parallel_loop3A_526, %parallel_loop3A_449 : i32
        %parallel_loop3A_528 = arith.index_cast %parallel_loop3A_527 : i32 to index
        %parallel_loop3A_529 = tpu.vector_load %arg7[%parallel_loop3A_528] {strides = array<i32>} : memref<16384xf32, #tpu.memory_space<vmem>>, vector<16xf32>,
        tpu.vector_store %arg7[%parallel_loop3A_528], %parallel_loop3A_465 {strides = array<i32>} : memref<16384xf32, #tpu.memory_space<vmem>>, vector<16xf32>,
        %parallel_loop3A_530 = arith.constant 512 : i32
        %parallel_loop3A_531 = arith.addi %parallel_loop3A_530, %parallel_loop3A_449 : i32
        %parallel_loop3A_532 = arith.index_cast %parallel_loop3A_531 : i32 to index
        %parallel_loop3A_533 = tpu.vector_load %arg7[%parallel_loop3A_532] {strides = array<i32>} : memref<16384xf32, #tpu.memory_space<vmem>>, vector<16xf32>,
        tpu.vector_store %arg7[%parallel_loop3A_532], %parallel_loop3A_469 {strides = array<i32>} : memref<16384xf32, #tpu.memory_space<vmem>>, vector<16xf32>,
        %parallel_loop3A_534 = arith.constant 640 : i32
        %parallel_loop3A_535 = arith.addi %parallel_loop3A_534, %parallel_loop3A_449 : i32
        %parallel_loop3A_536 = arith.index_cast %parallel_loop3A_535 : i32 to index
        %parallel_loop3A_537 = tpu.vector_load %arg7[%parallel_loop3A_536] {strides = array<i32>} : memref<16384xf32, #tpu.memory_space<vmem>>, vector<16xf32>,
        tpu.vector_store %arg7[%parallel_loop3A_536], %parallel_loop3A_473 {strides = array<i32>} : memref<16384xf32, #tpu.memory_space<vmem>>, vector<16xf32>,
        %parallel_loop3A_538 = arith.constant 768 : i32
        %parallel_loop3A_539 = arith.addi %parallel_loop3A_538, %parallel_loop3A_449 : i32
        %parallel_loop3A_540 = arith.index_cast %parallel_loop3A_539 : i32 to index
        %parallel_loop3A_541 = tpu.vector_load %arg7[%parallel_loop3A_540] {strides = array<i32>} : memref<16384xf32, #tpu.memory_space<vmem>>, vector<16xf32>,
        tpu.vector_store %arg7[%parallel_loop3A_540], %parallel_loop3A_477 {strides = array<i32>} : memref<16384xf32, #tpu.memory_space<vmem>>, vector<16xf32>,
        %parallel_loop3A_542 = arith.constant 896 : i32
        %parallel_loop3A_543 = arith.addi %parallel_loop3A_542, %parallel_loop3A_449 : i32
        %parallel_loop3A_544 = arith.index_cast %parallel_loop3A_543 : i32 to index
        %parallel_loop3A_545 = tpu.vector_load %arg7[%parallel_loop3A_544] {strides = array<i32>} : memref<16384xf32, #tpu.memory_space<vmem>>, vector<16xf32>,
        tpu.vector_store %arg7[%parallel_loop3A_544], %parallel_loop3A_481 {strides = array<i32>} : memref<16384xf32, #tpu.memory_space<vmem>>, vector<16xf32>,
        %parallel_loop3A_546 = arith.constant 4096 : i32
        %parallel_loop3A_547 = arith.addi %parallel_loop3A_546, %parallel_loop3A_449 : i32
        %parallel_loop3A_548 = arith.index_cast %parallel_loop3A_547 : i32 to index
        %parallel_loop3A_549 = tpu.vector_load %arg7[%parallel_loop3A_548] {strides = array<i32>} : memref<16384xf32, #tpu.memory_space<vmem>>, vector<16xf32>,
        tpu.vector_store %arg7[%parallel_loop3A_548], %parallel_loop3A_485 {strides = array<i32>} : memref<16384xf32, #tpu.memory_space<vmem>>, vector<16xf32>,
        %parallel_loop3A_550 = arith.constant 4224 : i32
        %parallel_loop3A_551 = arith.addi %parallel_loop3A_550, %parallel_loop3A_449 : i32
        %parallel_loop3A_552 = arith.index_cast %parallel_loop3A_551 : i32 to index
        %parallel_loop3A_553 = tpu.vector_load %arg7[%parallel_loop3A_552] {strides = array<i32>} : memref<16384xf32, #tpu.memory_space<vmem>>, vector<16xf32>,
        tpu.vector_store %arg7[%parallel_loop3A_552], %parallel_loop3A_489 {strides = array<i32>} : memref<16384xf32, #tpu.memory_space<vmem>>, vector<16xf32>,
        %parallel_loop3A_554 = arith.constant 4352 : i32
        %parallel_loop3A_555 = arith.addi %parallel_loop3A_554, %parallel_loop3A_449 : i32
        %parallel_loop3A_556 = arith.index_cast %parallel_loop3A_555 : i32 to index
        %parallel_loop3A_557 = tpu.vector_load %arg7[%parallel_loop3A_556] {strides = array<i32>} : memref<16384xf32, #tpu.memory_space<vmem>>, vector<16xf32>,
        tpu.vector_store %arg7[%parallel_loop3A_556], %parallel_loop3A_493 {strides = array<i32>} : memref<16384xf32, #tpu.memory_space<vmem>>, vector<16xf32>,
        %parallel_loop3A_558 = arith.constant 4480 : i32
        %parallel_loop3A_559 = arith.addi %parallel_loop3A_558, %parallel_loop3A_449 : i32
        %parallel_loop3A_560 = arith.index_cast %parallel_loop3A_559 : i32 to index
        %parallel_loop3A_561 = tpu.vector_load %arg7[%parallel_loop3A_560] {strides = array<i32>} : memref<16384xf32, #tpu.memory_space<vmem>>, vector<16xf32>,
        tpu.vector_store %arg7[%parallel_loop3A_560], %parallel_loop3A_497 {strides = array<i32>} : memref<16384xf32, #tpu.memory_space<vmem>>, vector<16xf32>,
        %parallel_loop3A_562 = arith.constant 4608 : i32
        %parallel_loop3A_563 = arith.addi %parallel_loop3A_562, %parallel_loop3A_449 : i32
        %parallel_loop3A_564 = arith.index_cast %parallel_loop3A_563 : i32 to index
        %parallel_loop3A_565 = tpu.vector_load %arg7[%parallel_loop3A_564] {strides = array<i32>} : memref<16384xf32, #tpu.memory_space<vmem>>, vector<16xf32>,
        tpu.vector_store %arg7[%parallel_loop3A_564], %parallel_loop3A_501 {strides = array<i32>} : memref<16384xf32, #tpu.memory_space<vmem>>, vector<16xf32>,
        %parallel_loop3A_566 = arith.constant 4736 : i32
        %parallel_loop3A_567 = arith.addi %parallel_loop3A_566, %parallel_loop3A_449 : i32
        %parallel_loop3A_568 = arith.index_cast %parallel_loop3A_567 : i32 to index
        %parallel_loop3A_569 = tpu.vector_load %arg7[%parallel_loop3A_568] {strides = array<i32>} : memref<16384xf32, #tpu.memory_space<vmem>>, vector<16xf32>,
        tpu.vector_store %arg7[%parallel_loop3A_568], %parallel_loop3A_505 {strides = array<i32>} : memref<16384xf32, #tpu.memory_space<vmem>>, vector<16xf32>,
        %parallel_loop3A_570 = arith.constant 4864 : i32
        %parallel_loop3A_571 = arith.addi %parallel_loop3A_570, %parallel_loop3A_449 : i32
        %parallel_loop3A_572 = arith.index_cast %parallel_loop3A_571 : i32 to index
        %parallel_loop3A_573 = tpu.vector_load %arg7[%parallel_loop3A_572] {strides = array<i32>} : memref<16384xf32, #tpu.memory_space<vmem>>, vector<16xf32>,
        tpu.vector_store %arg7[%parallel_loop3A_572], %parallel_loop3A_509 {strides = array<i32>} : memref<16384xf32, #tpu.memory_space<vmem>>, vector<16xf32>,
        %parallel_loop3A_574 = arith.constant 4992 : i32
        %parallel_loop3A_575 = arith.addi %parallel_loop3A_574, %parallel_loop3A_449 : i32
        %parallel_loop3A_576 = arith.index_cast %parallel_loop3A_575 : i32 to index
        %parallel_loop3A_577 = tpu.vector_load %arg7[%parallel_loop3A_576] {strides = array<i32>} : memref<16384xf32, #tpu.memory_space<vmem>>, vector<16xf32>,
        tpu.vector_store %arg7[%parallel_loop3A_576], %parallel_loop3A_513 {strides = array<i32>} : memref<16384xf32, #tpu.memory_space<vmem>>, vector<16xf32>,
      } {sc.loop_unroll_factor = 2 : i64, sc.parallel_access}
      %dma_start3A_265 = arith.constant 0 : i32
      %dma_start3A_266 = tpu.memref_slice %arg7[%dma_start3A_265] : memref<16384xf32, #tpu.memory_space<vmem>> -> memref<8192xf32, #tpu.memory_space<vmem>>
      %dma_start3A_267 = arith.constant 0 : i32
      %dma_start3A_268 = tpu.memref_slice %arg4[%select_n3A_187, %select_n3A_203, %dma_start3A_267] : memref<8x512x8192xf32, #tpu.memory_space<hbm>> -> memref<1x1x8192xf32, #tpu.memory_space<hbm>>
      %dma_start3A_269 = tpu.memref_squeeze %dma_start3A_268 : memref<1x1x8192xf32, #tpu.memory_space<hbm>> -> memref<8192xf32, #tpu.memory_space<hbm>>
      %dma_start3A_270 = arith.constant 0 : i32
      %dma_start3A_271 = tpu.memref_slice %arg4[%select_n3A_187, %select_n3A_203, %dma_start3A_270] : memref<8x512x8192xf32, #tpu.memory_space<hbm>> -> memref<1x1x8192xf32, #tpu.memory_space<hbm>>
      %dma_start3A_272 = tpu.memref_squeeze %dma_start3A_271 : memref<1x1x8192xf32, #tpu.memory_space<hbm>> -> memref<8192xf32, #tpu.memory_space<hbm>>
      %dma_start3A_273 = arith.constant 0 : i32
      %dma_start3A_274 = tpu.memref_slice %arg7[%dma_start3A_273] : memref<16384xf32, #tpu.memory_space<vmem>> -> memref<8192xf32, #tpu.memory_space<vmem>>
      tpu.enqueue_dma source(%dma_start3A_274 : memref<8192xf32, #tpu.memory_space<vmem>>) target(%dma_start3A_272 : memref<8192xf32, #tpu.memory_space<hbm>>) target_semaphore(%arg10 : memref<!tpu.dma_semaphore, #tpu.memory_space<semaphore_mem>>)
      %mul3A_275 = arith.constant 2 : i32
      %mul3A_276 = arith.muli %mul3A_275, %scan3A_158 : i32
      %add3A_277 = arith.constant 1 : i32
      %add3A_278 = arith.addi %mul3A_276, %add3A_277 : i32
      %add3A_279 = arith.addi %mul3A_2, %add3A_278 : i32
      %jit3A_280 = arith.constant 512 : i32
      %div3A_281 = arith.divsi %add3A_279, %jit3A_280 : i32
      %sign3A_282 = arith.constant 0 : i32
      %sign3A_283 = arith.cmpi sgt, %add3A_279, %sign3A_282 : i32
      %sign3A_284 = arith.extui %sign3A_283 : i1 to i32
      %sign3A_285 = arith.constant 0 : i32
      %sign3A_286 = arith.cmpi slt, %add3A_279, %sign3A_285 : i32
      %sign3A_287 = arith.extui %sign3A_286 : i1 to i32
      %sign3A_288 = arith.subi %sign3A_284, %sign3A_287 : i32
      %sign3A_289 = arith.constant 0 : i32
      %sign3A_290 = arith.cmpi sgt, %jit3A_280, %sign3A_289 : i32
      %sign3A_291 = arith.extui %sign3A_290 : i1 to i32
      %sign3A_292 = arith.constant 0 : i32
      %sign3A_293 = arith.cmpi slt, %jit3A_280, %sign3A_292 : i32
      %sign3A_294 = arith.extui %sign3A_293 : i1 to i32
      %sign3A_295 = arith.subi %sign3A_291, %sign3A_294 : i32
      %ne3A_296 = arith.cmpi ne, %sign3A_288, %sign3A_295 : i32
      %rem3A_297 = arith.remsi %add3A_279, %jit3A_280 : i32
      %ne3A_298 = arith.constant 0 : i32
      %ne3A_299 = arith.cmpi ne, %rem3A_297, %ne3A_298 : i32
      %and3A_300 = arith.andi %ne3A_296, %ne3A_299 : i1
      %sub3A_301 = arith.constant 1 : i32
      %sub3A_302 = arith.subi %div3A_281, %sub3A_301 : i32
      %select_n3A_303 = arith.select %and3A_300, %sub3A_302, %div3A_281 : i32
      %jit3A_304 = arith.constant 512 : i32
      %eq3A_305 = arith.constant 0 : i32
      %eq3A_306 = arith.cmpi eq, %jit3A_304, %eq3A_305 : i32
      %jit3A_307 = arith.constant 1 : i32
      %select_n3A_308 = arith.select %eq3A_306, %jit3A_307, %jit3A_304 : i32
      %rem3A_309 = arith.remsi %add3A_279, %select_n3A_308 : i32
      %ne3A_310 = arith.constant 0 : i32
      %ne3A_311 = arith.cmpi ne, %rem3A_309, %ne3A_310 : i32
      %lt3A_312 = arith.constant 0 : i32
      %lt3A_313 = arith.cmpi slt, %rem3A_309, %lt3A_312 : i32
      %lt3A_314 = arith.constant 0 : i32
      %lt3A_315 = arith.cmpi slt, %select_n3A_308, %lt3A_314 : i32
      %ne3A_316 = arith.xori %lt3A_313, %lt3A_315 : i1
      %and3A_317 = arith.andi %ne3A_316, %ne3A_311 : i1
      %add3A_318 = arith.addi %rem3A_309, %select_n3A_308 : i32
      %select_n3A_319 = arith.select %and3A_317, %add3A_318, %rem3A_309 : i32
      %jit3A_320 = arith.constant 512 : i32
      %div3A_321 = arith.divsi %add3A_279, %jit3A_320 : i32
      %sign3A_322 = arith.constant 0 : i32
      %sign3A_323 = arith.cmpi sgt, %add3A_279, %sign3A_322 : i32
      %sign3A_324 = arith.extui %sign3A_323 : i1 to i32
      %sign3A_325 = arith.constant 0 : i32
      %sign3A_326 = arith.cmpi slt, %add3A_279, %sign3A_325 : i32
      %sign3A_327 = arith.extui %sign3A_326 : i1 to i32
      %sign3A_328 = arith.subi %sign3A_324, %sign3A_327 : i32
      %sign3A_329 = arith.constant 0 : i32
      %sign3A_330 = arith.cmpi sgt, %jit3A_320, %sign3A_329 : i32
      %sign3A_331 = arith.extui %sign3A_330 : i1 to i32
      %sign3A_332 = arith.constant 0 : i32
      %sign3A_333 = arith.cmpi slt, %jit3A_320, %sign3A_332 : i32
      %sign3A_334 = arith.extui %sign3A_333 : i1 to i32
      %sign3A_335 = arith.subi %sign3A_331, %sign3A_334 : i32
      %ne3A_336 = arith.cmpi ne, %sign3A_328, %sign3A_335 : i32
      %rem3A_337 = arith.remsi %add3A_279, %jit3A_320 : i32
      %ne3A_338 = arith.constant 0 : i32
      %ne3A_339 = arith.cmpi ne, %rem3A_337, %ne3A_338 : i32
      %and3A_340 = arith.andi %ne3A_336, %ne3A_339 : i1
      %sub3A_341 = arith.constant 1 : i32
      %sub3A_342 = arith.subi %div3A_321, %sub3A_341 : i32
      %select_n3A_343 = arith.select %and3A_340, %sub3A_342, %div3A_321 : i32
      %jit3A_344 = arith.constant 512 : i32
      %eq3A_345 = arith.constant 0 : i32
      %eq3A_346 = arith.cmpi eq, %jit3A_344, %eq3A_345 : i32
      %jit3A_347 = arith.constant 1 : i32
      %select_n3A_348 = arith.select %eq3A_346, %jit3A_347, %jit3A_344 : i32
      %rem3A_349 = arith.remsi %add3A_279, %select_n3A_348 : i32
      %ne3A_350 = arith.constant 0 : i32
      %ne3A_351 = arith.cmpi ne, %rem3A_349, %ne3A_350 : i32
      %lt3A_352 = arith.constant 0 : i32
      %lt3A_353 = arith.cmpi slt, %rem3A_349, %lt3A_352 : i32
      %lt3A_354 = arith.constant 0 : i32
      %lt3A_355 = arith.cmpi slt, %select_n3A_348, %lt3A_354 : i32
      %ne3A_356 = arith.xori %lt3A_353, %lt3A_355 : i1
      %and3A_357 = arith.andi %ne3A_356, %ne3A_351 : i1
      %add3A_358 = arith.addi %rem3A_349, %select_n3A_348 : i32
      %select_n3A_359 = arith.select %and3A_357, %add3A_358, %rem3A_349 : i32
      %dma_wait3A_360 = arith.constant 512 : i32
      %dma_wait3A_361 = tpu.memref_slice %arg6[%dma_wait3A_360] : memref<1024xi32, #tpu.memory_space<vmem>> -> memref<512xi32, #tpu.memory_space<vmem>>
      %dma_wait3A_362 = arith.constant 0 : i32
      %dma_wait3A_363 = tpu.memref_slice %arg3[%select_n3A_343, %select_n3A_359, %dma_wait3A_362] : memref<8x512x512xi32, #tpu.memory_space<hbm>> -> memref<1x1x512xi32, #tpu.memory_space<hbm>>
      %dma_wait3A_364 = tpu.memref_squeeze %dma_wait3A_363 : memref<1x1x512xi32, #tpu.memory_space<hbm>> -> memref<512xi32, #tpu.memory_space<hbm>>
      %dma_wait3A_365 = arith.constant 512 : i32
      %dma_wait3A_366 = tpu.memref_slice %arg6[%dma_wait3A_365] : memref<1024xi32, #tpu.memory_space<vmem>> -> memref<512xi32, #tpu.memory_space<vmem>>
      %dma_wait3A_367 = arith.constant 0 : i32
      %dma_wait3A_368 = tpu.memref_slice %arg3[%select_n3A_343, %select_n3A_359, %dma_wait3A_367] : memref<8x512x512xi32, #tpu.memory_space<hbm>> -> memref<1x1x512xi32, #tpu.memory_space<hbm>>
      %dma_wait3A_369 = tpu.memref_squeeze %dma_wait3A_368 : memref<1x1x512xi32, #tpu.memory_space<hbm>> -> memref<512xi32, #tpu.memory_space<hbm>>
      tpu.wait_dma2 semaphore(%arg9 : memref<!tpu.dma_semaphore, #tpu.memory_space<semaphore_mem>>) src(%dma_wait3A_369 : memref<512xi32, #tpu.memory_space<hbm>>) dst(%dma_wait3A_366 : memref<512xi32, #tpu.memory_space<vmem>>)
      %add3A_370 = arith.constant 1 : i32
      %add3A_371 = arith.addi %add3A_278, %add3A_370 : i32
      %lt3A_372 = arith.constant 128 : i32
      %lt3A_373 = arith.cmpi slt, %add3A_371, %lt3A_372 : i32
      %convert_element_type3A_374 = arith.extui %lt3A_373 : i1 to i32
      %cond3A_375 = arith.constant 0 : i32
      %cond3A_376 = arith.cmpi ne, %convert_element_type3A_374, %cond3A_375 : i32
      scf.if %cond3A_376 {
        %add3A_395 = arith.constant 1 : i32
        %add3A_396 = arith.addi %add3A_279, %add3A_395 : i32
        %jit3A_397 = arith.constant 512 : i32
        %div3A_398 = arith.divsi %add3A_396, %jit3A_397 : i32
        %sign3A_399 = arith.constant 0 : i32
        %sign3A_400 = arith.cmpi sgt, %add3A_396, %sign3A_399 : i32
        %sign3A_401 = arith.extui %sign3A_400 : i1 to i32
        %sign3A_402 = arith.constant 0 : i32
        %sign3A_403 = arith.cmpi slt, %add3A_396, %sign3A_402 : i32
        %sign3A_404 = arith.extui %sign3A_403 : i1 to i32
        %sign3A_405 = arith.subi %sign3A_401, %sign3A_404 : i32
        %sign3A_406 = arith.constant 0 : i32
        %sign3A_407 = arith.cmpi sgt, %jit3A_397, %sign3A_406 : i32
        %sign3A_408 = arith.extui %sign3A_407 : i1 to i32
        %sign3A_409 = arith.constant 0 : i32
        %sign3A_410 = arith.cmpi slt, %jit3A_397, %sign3A_409 : i32
        %sign3A_411 = arith.extui %sign3A_410 : i1 to i32
        %sign3A_412 = arith.subi %sign3A_408, %sign3A_411 : i32
        %ne3A_413 = arith.cmpi ne, %sign3A_405, %sign3A_412 : i32
        %rem3A_414 = arith.remsi %add3A_396, %jit3A_397 : i32
        %ne3A_415 = arith.constant 0 : i32
        %ne3A_416 = arith.cmpi ne, %rem3A_414, %ne3A_415 : i32
        %and3A_417 = arith.andi %ne3A_413, %ne3A_416 : i1
        %sub3A_418 = arith.constant 1 : i32
        %sub3A_419 = arith.subi %div3A_398, %sub3A_418 : i32
        %select_n3A_420 = arith.select %and3A_417, %sub3A_419, %div3A_398 : i32
        %jit3A_421 = arith.constant 512 : i32
        %eq3A_422 = arith.constant 0 : i32
        %eq3A_423 = arith.cmpi eq, %jit3A_421, %eq3A_422 : i32
        %jit3A_424 = arith.constant 1 : i32
        %select_n3A_425 = arith.select %eq3A_423, %jit3A_424, %jit3A_421 : i32
        %rem3A_426 = arith.remsi %add3A_396, %select_n3A_425 : i32
        %ne3A_427 = arith.constant 0 : i32
        %ne3A_428 = arith.cmpi ne, %rem3A_426, %ne3A_427 : i32
        %lt3A_429 = arith.constant 0 : i32
        %lt3A_430 = arith.cmpi slt, %rem3A_426, %lt3A_429 : i32
        %lt3A_431 = arith.constant 0 : i32
        %lt3A_432 = arith.cmpi slt, %select_n3A_425, %lt3A_431 : i32
        %ne3A_433 = arith.xori %lt3A_430, %lt3A_432 : i1
        %and3A_434 = arith.andi %ne3A_433, %ne3A_428 : i1
        %add3A_435 = arith.addi %rem3A_426, %select_n3A_425 : i32
        %select_n3A_436 = arith.select %and3A_434, %add3A_435, %rem3A_426 : i32
        %dma_start3A_437 = arith.constant 0 : i32
        %dma_start3A_438 = tpu.memref_slice %arg6[%dma_start3A_437] : memref<1024xi32, #tpu.memory_space<vmem>> -> memref<512xi32, #tpu.memory_space<vmem>>
        %dma_start3A_439 = arith.constant 0 : i32
        %dma_start3A_440 = tpu.memref_slice %arg3[%select_n3A_420, %select_n3A_436, %dma_start3A_439] : memref<8x512x512xi32, #tpu.memory_space<hbm>> -> memref<1x1x512xi32, #tpu.memory_space<hbm>>
        %dma_start3A_441 = tpu.memref_squeeze %dma_start3A_440 : memref<1x1x512xi32, #tpu.memory_space<hbm>> -> memref<512xi32, #tpu.memory_space<hbm>>
        %dma_start3A_442 = arith.constant 0 : i32
        %dma_start3A_443 = tpu.memref_slice %arg6[%dma_start3A_442] : memref<1024xi32, #tpu.memory_space<vmem>> -> memref<512xi32, #tpu.memory_space<vmem>>
        %dma_start3A_444 = arith.constant 0 : i32
        %dma_start3A_445 = tpu.memref_slice %arg3[%select_n3A_420, %select_n3A_436, %dma_start3A_444] : memref<8x512x512xi32, #tpu.memory_space<hbm>> -> memref<1x1x512xi32, #tpu.memory_space<hbm>>
        %dma_start3A_446 = tpu.memref_squeeze %dma_start3A_445 : memref<1x1x512xi32, #tpu.memory_space<hbm>> -> memref<512xi32, #tpu.memory_space<hbm>>
        tpu.enqueue_dma source(%dma_start3A_446 : memref<512xi32, #tpu.memory_space<hbm>>) target(%dma_start3A_443 : memref<512xi32, #tpu.memory_space<vmem>>) target_semaphore(%arg8 : memref<!tpu.dma_semaphore, #tpu.memory_space<semaphore_mem>>)
      } else {
      }
      %ge3A_377 = arith.constant 2 : i32
      %ge3A_378 = arith.cmpi sge, %add3A_278, %ge3A_377 : i32
      %convert_element_type3A_379 = arith.extui %ge3A_378 : i1 to i32
      %cond3A_380 = arith.constant 0 : i32
      %cond3A_381 = arith.cmpi ne, %convert_element_type3A_379, %cond3A_380 : i32
      scf.if %cond3A_381 {
        %dma_wait3A_395 = arith.constant 8192 : i32
        %dma_wait3A_396 = tpu.memref_slice %arg7[%dma_wait3A_395] : memref<16384xf32, #tpu.memory_space<vmem>> -> memref<8192xf32, #tpu.memory_space<vmem>>
        %dma_wait3A_397 = arith.constant 0 : i32
        %dma_wait3A_398 = tpu.memref_slice %arg4[%select_n3A_303, %select_n3A_319, %dma_wait3A_397] : memref<8x512x8192xf32, #tpu.memory_space<hbm>> -> memref<1x1x8192xf32, #tpu.memory_space<hbm>>
        %dma_wait3A_399 = tpu.memref_squeeze %dma_wait3A_398 : memref<1x1x8192xf32, #tpu.memory_space<hbm>> -> memref<8192xf32, #tpu.memory_space<hbm>>
        %dma_wait3A_400 = arith.constant 0 : i32
        %dma_wait3A_401 = tpu.memref_slice %arg4[%select_n3A_303, %select_n3A_319, %dma_wait3A_400] : memref<8x512x8192xf32, #tpu.memory_space<hbm>> -> memref<1x1x8192xf32, #tpu.memory_space<hbm>>
        %dma_wait3A_402 = tpu.memref_squeeze %dma_wait3A_401 : memref<1x1x8192xf32, #tpu.memory_space<hbm>> -> memref<8192xf32, #tpu.memory_space<hbm>>
        %dma_wait3A_403 = arith.constant 8192 : i32
        %dma_wait3A_404 = tpu.memref_slice %arg7[%dma_wait3A_403] : memref<16384xf32, #tpu.memory_space<vmem>> -> memref<8192xf32, #tpu.memory_space<vmem>>
        tpu.wait_dma2 semaphore(%arg11 : memref<!tpu.dma_semaphore, #tpu.memory_space<semaphore_mem>>) src(%dma_wait3A_404 : memref<8192xf32, #tpu.memory_space<vmem>>) dst(%dma_wait3A_402 : memref<8192xf32, #tpu.memory_space<hbm>>)
      } else {
      }
      %parallel_loop3A_382 = arith.constant 0 : i32
      %parallel_loop3A_383 = arith.constant 32 : i32
      %parallel_loop3A_384 = arith.constant 1 : i32
      scf.for %parallel_loop3A_395 = %parallel_loop3A_382 to %parallel_loop3A_383 step %parallel_loop3A_384  : i32 {
        %parallel_loop3A_396 = arith.constant 16 : i32
        %parallel_loop3A_397 = arith.muli %parallel_loop3A_396, %parallel_loop3A_395 : i32
        %parallel_loop3A_398 = arith.constant 512 : i32
        %parallel_loop3A_399 = arith.addi %parallel_loop3A_398, %parallel_loop3A_397 : i32
        %parallel_loop3A_400 = arith.index_cast %parallel_loop3A_399 : i32 to index
        %parallel_loop3A_401 = tpu.vector_load %arg6[%parallel_loop3A_400] {strides = array<i32>} : memref<1024xi32, #tpu.memory_space<vmem>>, vector<16xi32>,
        %parallel_loop3A_402 = arith.constant 16 : i32
        %parallel_loop3A_403 = vector.broadcast %parallel_loop3A_402 : i32 to vector<16xi32>
        %parallel_loop3A_404 = arith.muli %parallel_loop3A_401, %parallel_loop3A_403 : vector<16xi32>
        %parallel_loop3A_405 = arith.constant 16 : i32
        %parallel_loop3A_406 = arith.muli %parallel_loop3A_395, %parallel_loop3A_405 : i32
        %parallel_loop3A_407 = arith.constant 128 : i32
        %parallel_loop3A_408 = arith.divsi %parallel_loop3A_406, %parallel_loop3A_407 : i32
        %parallel_loop3A_409 = arith.constant 0 : i32
        %parallel_loop3A_410 = arith.cmpi sgt, %parallel_loop3A_406, %parallel_loop3A_409 : i32
        %parallel_loop3A_411 = arith.extui %parallel_loop3A_410 : i1 to i32
        %parallel_loop3A_412 = arith.constant 0 : i32
        %parallel_loop3A_413 = arith.cmpi slt, %parallel_loop3A_406, %parallel_loop3A_412 : i32
        %parallel_loop3A_414 = arith.extui %parallel_loop3A_413 : i1 to i32
        %parallel_loop3A_415 = arith.subi %parallel_loop3A_411, %parallel_loop3A_414 : i32
        %parallel_loop3A_416 = arith.constant 0 : i32
        %parallel_loop3A_417 = arith.cmpi sgt, %parallel_loop3A_407, %parallel_loop3A_416 : i32
        %parallel_loop3A_418 = arith.extui %parallel_loop3A_417 : i1 to i32
        %parallel_loop3A_419 = arith.constant 0 : i32
        %parallel_loop3A_420 = arith.cmpi slt, %parallel_loop3A_407, %parallel_loop3A_419 : i32
        %parallel_loop3A_421 = arith.extui %parallel_loop3A_420 : i1 to i32
        %parallel_loop3A_422 = arith.subi %parallel_loop3A_418, %parallel_loop3A_421 : i32
        %parallel_loop3A_423 = arith.cmpi ne, %parallel_loop3A_415, %parallel_loop3A_422 : i32
        %parallel_loop3A_424 = arith.remsi %parallel_loop3A_406, %parallel_loop3A_407 : i32
        %parallel_loop3A_425 = arith.constant 0 : i32
        %parallel_loop3A_426 = arith.cmpi ne, %parallel_loop3A_424, %parallel_loop3A_425 : i32
        %parallel_loop3A_427 = arith.andi %parallel_loop3A_423, %parallel_loop3A_426 : i1
        %parallel_loop3A_428 = arith.constant 1 : i32
        %parallel_loop3A_429 = arith.subi %parallel_loop3A_408, %parallel_loop3A_428 : i32
        %parallel_loop3A_430 = arith.select %parallel_loop3A_427, %parallel_loop3A_429, %parallel_loop3A_408 : i32
        %parallel_loop3A_431 = arith.constant 1024 : i32
        %parallel_loop3A_432 = arith.muli %parallel_loop3A_430, %parallel_loop3A_431 : i32
        %parallel_loop3A_433 = arith.constant 128 : i32
        %parallel_loop3A_434 = arith.constant 0 : i32
        %parallel_loop3A_435 = arith.cmpi eq, %parallel_loop3A_433, %parallel_loop3A_434 : i32
        %parallel_loop3A_436 = arith.constant 1 : i32
        %parallel_loop3A_437 = arith.select %parallel_loop3A_435, %parallel_loop3A_436, %parallel_loop3A_433 : i32
        %parallel_loop3A_438 = arith.remsi %parallel_loop3A_406, %parallel_loop3A_437 : i32
        %parallel_loop3A_439 = arith.constant 0 : i32
        %parallel_loop3A_440 = arith.cmpi ne, %parallel_loop3A_438, %parallel_loop3A_439 : i32
        %parallel_loop3A_441 = arith.constant 0 : i32
        %parallel_loop3A_442 = arith.cmpi slt, %parallel_loop3A_438, %parallel_loop3A_441 : i32
        %parallel_loop3A_443 = arith.constant 0 : i32
        %parallel_loop3A_444 = arith.cmpi slt, %parallel_loop3A_437, %parallel_loop3A_443 : i32
        %parallel_loop3A_445 = arith.xori %parallel_loop3A_442, %parallel_loop3A_444 : i1
        %parallel_loop3A_446 = arith.andi %parallel_loop3A_445, %parallel_loop3A_440 : i1
        %parallel_loop3A_447 = arith.addi %parallel_loop3A_438, %parallel_loop3A_437 : i32
        %parallel_loop3A_448 = arith.select %parallel_loop3A_446, %parallel_loop3A_447, %parallel_loop3A_438 : i32
        %parallel_loop3A_449 = arith.addi %parallel_loop3A_432, %parallel_loop3A_448 : i32
        %parallel_loop3A_450 = arith.constant 0 : i32
        %parallel_loop3A_451 = vector.broadcast %parallel_loop3A_450 : i32 to vector<16xi32>
        %parallel_loop3A_452 = arith.addi %parallel_loop3A_404, %parallel_loop3A_451 : vector<16xi32>
        %parallel_loop3A_453 = tpu.vector_load_idx %arg5[%parallel_loop3A_452] : memref<8192xf32, #tpu.memory_space<vmem>>[vector<16xi32>], vector<16xf32>,
        %parallel_loop3A_454 = arith.constant 1 : i32
        %parallel_loop3A_455 = vector.broadcast %parallel_loop3A_454 : i32 to vector<16xi32>
        %parallel_loop3A_456 = arith.addi %parallel_loop3A_404, %parallel_loop3A_455 : vector<16xi32>
        %parallel_loop3A_457 = tpu.vector_load_idx %arg5[%parallel_loop3A_456] : memref<8192xf32, #tpu.memory_space<vmem>>[vector<16xi32>], vector<16xf32>,
        %parallel_loop3A_458 = arith.constant 2 : i32
        %parallel_loop3A_459 = vector.broadcast %parallel_loop3A_458 : i32 to vector<16xi32>
        %parallel_loop3A_460 = arith.addi %parallel_loop3A_404, %parallel_loop3A_459 : vector<16xi32>
        %parallel_loop3A_461 = tpu.vector_load_idx %arg5[%parallel_loop3A_460] : memref<8192xf32, #tpu.memory_space<vmem>>[vector<16xi32>], vector<16xf32>,
        %parallel_loop3A_462 = arith.constant 3 : i32
        %parallel_loop3A_463 = vector.broadcast %parallel_loop3A_462 : i32 to vector<16xi32>
        %parallel_loop3A_464 = arith.addi %parallel_loop3A_404, %parallel_loop3A_463 : vector<16xi32>
        %parallel_loop3A_465 = tpu.vector_load_idx %arg5[%parallel_loop3A_464] : memref<8192xf32, #tpu.memory_space<vmem>>[vector<16xi32>], vector<16xf32>,
        %parallel_loop3A_466 = arith.constant 4 : i32
        %parallel_loop3A_467 = vector.broadcast %parallel_loop3A_466 : i32 to vector<16xi32>
        %parallel_loop3A_468 = arith.addi %parallel_loop3A_404, %parallel_loop3A_467 : vector<16xi32>
        %parallel_loop3A_469 = tpu.vector_load_idx %arg5[%parallel_loop3A_468] : memref<8192xf32, #tpu.memory_space<vmem>>[vector<16xi32>], vector<16xf32>,
        %parallel_loop3A_470 = arith.constant 5 : i32
        %parallel_loop3A_471 = vector.broadcast %parallel_loop3A_470 : i32 to vector<16xi32>
        %parallel_loop3A_472 = arith.addi %parallel_loop3A_404, %parallel_loop3A_471 : vector<16xi32>
        %parallel_loop3A_473 = tpu.vector_load_idx %arg5[%parallel_loop3A_472] : memref<8192xf32, #tpu.memory_space<vmem>>[vector<16xi32>], vector<16xf32>,
        %parallel_loop3A_474 = arith.constant 6 : i32
        %parallel_loop3A_475 = vector.broadcast %parallel_loop3A_474 : i32 to vector<16xi32>
        %parallel_loop3A_476 = arith.addi %parallel_loop3A_404, %parallel_loop3A_475 : vector<16xi32>
        %parallel_loop3A_477 = tpu.vector_load_idx %arg5[%parallel_loop3A_476] : memref<8192xf32, #tpu.memory_space<vmem>>[vector<16xi32>], vector<16xf32>,
        %parallel_loop3A_478 = arith.constant 7 : i32
        %parallel_loop3A_479 = vector.broadcast %parallel_loop3A_478 : i32 to vector<16xi32>
        %parallel_loop3A_480 = arith.addi %parallel_loop3A_404, %parallel_loop3A_479 : vector<16xi32>
        %parallel_loop3A_481 = tpu.vector_load_idx %arg5[%parallel_loop3A_480] : memref<8192xf32, #tpu.memory_space<vmem>>[vector<16xi32>], vector<16xf32>,
        %parallel_loop3A_482 = arith.constant 8 : i32
        %parallel_loop3A_483 = vector.broadcast %parallel_loop3A_482 : i32 to vector<16xi32>
        %parallel_loop3A_484 = arith.addi %parallel_loop3A_404, %parallel_loop3A_483 : vector<16xi32>
        %parallel_loop3A_485 = tpu.vector_load_idx %arg5[%parallel_loop3A_484] : memref<8192xf32, #tpu.memory_space<vmem>>[vector<16xi32>], vector<16xf32>,
        %parallel_loop3A_486 = arith.constant 9 : i32
        %parallel_loop3A_487 = vector.broadcast %parallel_loop3A_486 : i32 to vector<16xi32>
        %parallel_loop3A_488 = arith.addi %parallel_loop3A_404, %parallel_loop3A_487 : vector<16xi32>
        %parallel_loop3A_489 = tpu.vector_load_idx %arg5[%parallel_loop3A_488] : memref<8192xf32, #tpu.memory_space<vmem>>[vector<16xi32>], vector<16xf32>,
        %parallel_loop3A_490 = arith.constant 10 : i32
        %parallel_loop3A_491 = vector.broadcast %parallel_loop3A_490 : i32 to vector<16xi32>
        %parallel_loop3A_492 = arith.addi %parallel_loop3A_404, %parallel_loop3A_491 : vector<16xi32>
        %parallel_loop3A_493 = tpu.vector_load_idx %arg5[%parallel_loop3A_492] : memref<8192xf32, #tpu.memory_space<vmem>>[vector<16xi32>], vector<16xf32>,
        %parallel_loop3A_494 = arith.constant 11 : i32
        %parallel_loop3A_495 = vector.broadcast %parallel_loop3A_494 : i32 to vector<16xi32>
        %parallel_loop3A_496 = arith.addi %parallel_loop3A_404, %parallel_loop3A_495 : vector<16xi32>
        %parallel_loop3A_497 = tpu.vector_load_idx %arg5[%parallel_loop3A_496] : memref<8192xf32, #tpu.memory_space<vmem>>[vector<16xi32>], vector<16xf32>,
        %parallel_loop3A_498 = arith.constant 12 : i32
        %parallel_loop3A_499 = vector.broadcast %parallel_loop3A_498 : i32 to vector<16xi32>
        %parallel_loop3A_500 = arith.addi %parallel_loop3A_404, %parallel_loop3A_499 : vector<16xi32>
        %parallel_loop3A_501 = tpu.vector_load_idx %arg5[%parallel_loop3A_500] : memref<8192xf32, #tpu.memory_space<vmem>>[vector<16xi32>], vector<16xf32>,
        %parallel_loop3A_502 = arith.constant 13 : i32
        %parallel_loop3A_503 = vector.broadcast %parallel_loop3A_502 : i32 to vector<16xi32>
        %parallel_loop3A_504 = arith.addi %parallel_loop3A_404, %parallel_loop3A_503 : vector<16xi32>
        %parallel_loop3A_505 = tpu.vector_load_idx %arg5[%parallel_loop3A_504] : memref<8192xf32, #tpu.memory_space<vmem>>[vector<16xi32>], vector<16xf32>,
        %parallel_loop3A_506 = arith.constant 14 : i32
        %parallel_loop3A_507 = vector.broadcast %parallel_loop3A_506 : i32 to vector<16xi32>
        %parallel_loop3A_508 = arith.addi %parallel_loop3A_404, %parallel_loop3A_507 : vector<16xi32>
        %parallel_loop3A_509 = tpu.vector_load_idx %arg5[%parallel_loop3A_508] : memref<8192xf32, #tpu.memory_space<vmem>>[vector<16xi32>], vector<16xf32>,
        %parallel_loop3A_510 = arith.constant 15 : i32
        %parallel_loop3A_511 = vector.broadcast %parallel_loop3A_510 : i32 to vector<16xi32>
        %parallel_loop3A_512 = arith.addi %parallel_loop3A_404, %parallel_loop3A_511 : vector<16xi32>
        %parallel_loop3A_513 = tpu.vector_load_idx %arg5[%parallel_loop3A_512] : memref<8192xf32, #tpu.memory_space<vmem>>[vector<16xi32>], vector<16xf32>,
        %parallel_loop3A_514 = arith.constant 8192 : i32
        %parallel_loop3A_515 = arith.addi %parallel_loop3A_514, %parallel_loop3A_449 : i32
        %parallel_loop3A_516 = arith.index_cast %parallel_loop3A_515 : i32 to index
        %parallel_loop3A_517 = tpu.vector_load %arg7[%parallel_loop3A_516] {strides = array<i32>} : memref<16384xf32, #tpu.memory_space<vmem>>, vector<16xf32>,
        tpu.vector_store %arg7[%parallel_loop3A_516], %parallel_loop3A_453 {strides = array<i32>} : memref<16384xf32, #tpu.memory_space<vmem>>, vector<16xf32>,
        %parallel_loop3A_518 = arith.constant 8320 : i32
        %parallel_loop3A_519 = arith.addi %parallel_loop3A_518, %parallel_loop3A_449 : i32
        %parallel_loop3A_520 = arith.index_cast %parallel_loop3A_519 : i32 to index
        %parallel_loop3A_521 = tpu.vector_load %arg7[%parallel_loop3A_520] {strides = array<i32>} : memref<16384xf32, #tpu.memory_space<vmem>>, vector<16xf32>,
        tpu.vector_store %arg7[%parallel_loop3A_520], %parallel_loop3A_457 {strides = array<i32>} : memref<16384xf32, #tpu.memory_space<vmem>>, vector<16xf32>,
        %parallel_loop3A_522 = arith.constant 8448 : i32
        %parallel_loop3A_523 = arith.addi %parallel_loop3A_522, %parallel_loop3A_449 : i32
        %parallel_loop3A_524 = arith.index_cast %parallel_loop3A_523 : i32 to index
        %parallel_loop3A_525 = tpu.vector_load %arg7[%parallel_loop3A_524] {strides = array<i32>} : memref<16384xf32, #tpu.memory_space<vmem>>, vector<16xf32>,
        tpu.vector_store %arg7[%parallel_loop3A_524], %parallel_loop3A_461 {strides = array<i32>} : memref<16384xf32, #tpu.memory_space<vmem>>, vector<16xf32>,
        %parallel_loop3A_526 = arith.constant 8576 : i32
        %parallel_loop3A_527 = arith.addi %parallel_loop3A_526, %parallel_loop3A_449 : i32
        %parallel_loop3A_528 = arith.index_cast %parallel_loop3A_527 : i32 to index
        %parallel_loop3A_529 = tpu.vector_load %arg7[%parallel_loop3A_528] {strides = array<i32>} : memref<16384xf32, #tpu.memory_space<vmem>>, vector<16xf32>,
        tpu.vector_store %arg7[%parallel_loop3A_528], %parallel_loop3A_465 {strides = array<i32>} : memref<16384xf32, #tpu.memory_space<vmem>>, vector<16xf32>,
        %parallel_loop3A_530 = arith.constant 8704 : i32
        %parallel_loop3A_531 = arith.addi %parallel_loop3A_530, %parallel_loop3A_449 : i32
        %parallel_loop3A_532 = arith.index_cast %parallel_loop3A_531 : i32 to index
        %parallel_loop3A_533 = tpu.vector_load %arg7[%parallel_loop3A_532] {strides = array<i32>} : memref<16384xf32, #tpu.memory_space<vmem>>, vector<16xf32>,
        tpu.vector_store %arg7[%parallel_loop3A_532], %parallel_loop3A_469 {strides = array<i32>} : memref<16384xf32, #tpu.memory_space<vmem>>, vector<16xf32>,
        %parallel_loop3A_534 = arith.constant 8832 : i32
        %parallel_loop3A_535 = arith.addi %parallel_loop3A_534, %parallel_loop3A_449 : i32
        %parallel_loop3A_536 = arith.index_cast %parallel_loop3A_535 : i32 to index
        %parallel_loop3A_537 = tpu.vector_load %arg7[%parallel_loop3A_536] {strides = array<i32>} : memref<16384xf32, #tpu.memory_space<vmem>>, vector<16xf32>,
        tpu.vector_store %arg7[%parallel_loop3A_536], %parallel_loop3A_473 {strides = array<i32>} : memref<16384xf32, #tpu.memory_space<vmem>>, vector<16xf32>,
        %parallel_loop3A_538 = arith.constant 8960 : i32
        %parallel_loop3A_539 = arith.addi %parallel_loop3A_538, %parallel_loop3A_449 : i32
        %parallel_loop3A_540 = arith.index_cast %parallel_loop3A_539 : i32 to index
        %parallel_loop3A_541 = tpu.vector_load %arg7[%parallel_loop3A_540] {strides = array<i32>} : memref<16384xf32, #tpu.memory_space<vmem>>, vector<16xf32>,
        tpu.vector_store %arg7[%parallel_loop3A_540], %parallel_loop3A_477 {strides = array<i32>} : memref<16384xf32, #tpu.memory_space<vmem>>, vector<16xf32>,
        %parallel_loop3A_542 = arith.constant 9088 : i32
        %parallel_loop3A_543 = arith.addi %parallel_loop3A_542, %parallel_loop3A_449 : i32
        %parallel_loop3A_544 = arith.index_cast %parallel_loop3A_543 : i32 to index
        %parallel_loop3A_545 = tpu.vector_load %arg7[%parallel_loop3A_544] {strides = array<i32>} : memref<16384xf32, #tpu.memory_space<vmem>>, vector<16xf32>,
        tpu.vector_store %arg7[%parallel_loop3A_544], %parallel_loop3A_481 {strides = array<i32>} : memref<16384xf32, #tpu.memory_space<vmem>>, vector<16xf32>,
        %parallel_loop3A_546 = arith.constant 12288 : i32
        %parallel_loop3A_547 = arith.addi %parallel_loop3A_546, %parallel_loop3A_449 : i32
        %parallel_loop3A_548 = arith.index_cast %parallel_loop3A_547 : i32 to index
        %parallel_loop3A_549 = tpu.vector_load %arg7[%parallel_loop3A_548] {strides = array<i32>} : memref<16384xf32, #tpu.memory_space<vmem>>, vector<16xf32>,
        tpu.vector_store %arg7[%parallel_loop3A_548], %parallel_loop3A_485 {strides = array<i32>} : memref<16384xf32, #tpu.memory_space<vmem>>, vector<16xf32>,
        %parallel_loop3A_550 = arith.constant 12416 : i32
        %parallel_loop3A_551 = arith.addi %parallel_loop3A_550, %parallel_loop3A_449 : i32
        %parallel_loop3A_552 = arith.index_cast %parallel_loop3A_551 : i32 to index
        %parallel_loop3A_553 = tpu.vector_load %arg7[%parallel_loop3A_552] {strides = array<i32>} : memref<16384xf32, #tpu.memory_space<vmem>>, vector<16xf32>,
        tpu.vector_store %arg7[%parallel_loop3A_552], %parallel_loop3A_489 {strides = array<i32>} : memref<16384xf32, #tpu.memory_space<vmem>>, vector<16xf32>,
        %parallel_loop3A_554 = arith.constant 12544 : i32
        %parallel_loop3A_555 = arith.addi %parallel_loop3A_554, %parallel_loop3A_449 : i32
        %parallel_loop3A_556 = arith.index_cast %parallel_loop3A_555 : i32 to index
        %parallel_loop3A_557 = tpu.vector_load %arg7[%parallel_loop3A_556] {strides = array<i32>} : memref<16384xf32, #tpu.memory_space<vmem>>, vector<16xf32>,
        tpu.vector_store %arg7[%parallel_loop3A_556], %parallel_loop3A_493 {strides = array<i32>} : memref<16384xf32, #tpu.memory_space<vmem>>, vector<16xf32>,
        %parallel_loop3A_558 = arith.constant 12672 : i32
        %parallel_loop3A_559 = arith.addi %parallel_loop3A_558, %parallel_loop3A_449 : i32
        %parallel_loop3A_560 = arith.index_cast %parallel_loop3A_559 : i32 to index
        %parallel_loop3A_561 = tpu.vector_load %arg7[%parallel_loop3A_560] {strides = array<i32>} : memref<16384xf32, #tpu.memory_space<vmem>>, vector<16xf32>,
        tpu.vector_store %arg7[%parallel_loop3A_560], %parallel_loop3A_497 {strides = array<i32>} : memref<16384xf32, #tpu.memory_space<vmem>>, vector<16xf32>,
        %parallel_loop3A_562 = arith.constant 12800 : i32
        %parallel_loop3A_563 = arith.addi %parallel_loop3A_562, %parallel_loop3A_449 : i32
        %parallel_loop3A_564 = arith.index_cast %parallel_loop3A_563 : i32 to index
        %parallel_loop3A_565 = tpu.vector_load %arg7[%parallel_loop3A_564] {strides = array<i32>} : memref<16384xf32, #tpu.memory_space<vmem>>, vector<16xf32>,
        tpu.vector_store %arg7[%parallel_loop3A_564], %parallel_loop3A_501 {strides = array<i32>} : memref<16384xf32, #tpu.memory_space<vmem>>, vector<16xf32>,
        %parallel_loop3A_566 = arith.constant 12928 : i32
        %parallel_loop3A_567 = arith.addi %parallel_loop3A_566, %parallel_loop3A_449 : i32
        %parallel_loop3A_568 = arith.index_cast %parallel_loop3A_567 : i32 to index
        %parallel_loop3A_569 = tpu.vector_load %arg7[%parallel_loop3A_568] {strides = array<i32>} : memref<16384xf32, #tpu.memory_space<vmem>>, vector<16xf32>,
        tpu.vector_store %arg7[%parallel_loop3A_568], %parallel_loop3A_505 {strides = array<i32>} : memref<16384xf32, #tpu.memory_space<vmem>>, vector<16xf32>,
        %parallel_loop3A_570 = arith.constant 13056 : i32
        %parallel_loop3A_571 = arith.addi %parallel_loop3A_570, %parallel_loop3A_449 : i32
        %parallel_loop3A_572 = arith.index_cast %parallel_loop3A_571 : i32 to index
        %parallel_loop3A_573 = tpu.vector_load %arg7[%parallel_loop3A_572] {strides = array<i32>} : memref<16384xf32, #tpu.memory_space<vmem>>, vector<16xf32>,
        tpu.vector_store %arg7[%parallel_loop3A_572], %parallel_loop3A_509 {strides = array<i32>} : memref<16384xf32, #tpu.memory_space<vmem>>, vector<16xf32>,
        %parallel_loop3A_574 = arith.constant 13184 : i32
        %parallel_loop3A_575 = arith.addi %parallel_loop3A_574, %parallel_loop3A_449 : i32
        %parallel_loop3A_576 = arith.index_cast %parallel_loop3A_575 : i32 to index
        %parallel_loop3A_577 = tpu.vector_load %arg7[%parallel_loop3A_576] {strides = array<i32>} : memref<16384xf32, #tpu.memory_space<vmem>>, vector<16xf32>,
        tpu.vector_store %arg7[%parallel_loop3A_576], %parallel_loop3A_513 {strides = array<i32>} : memref<16384xf32, #tpu.memory_space<vmem>>, vector<16xf32>,
      } {sc.loop_unroll_factor = 2 : i64, sc.parallel_access}
      %dma_start3A_385 = arith.constant 8192 : i32
      %dma_start3A_386 = tpu.memref_slice %arg7[%dma_start3A_385] : memref<16384xf32, #tpu.memory_space<vmem>> -> memref<8192xf32, #tpu.memory_space<vmem>>
      %dma_start3A_387 = arith.constant 0 : i32
      %dma_start3A_388 = tpu.memref_slice %arg4[%select_n3A_303, %select_n3A_319, %dma_start3A_387] : memref<8x512x8192xf32, #tpu.memory_space<hbm>> -> memref<1x1x8192xf32, #tpu.memory_space<hbm>>
      %dma_start3A_389 = tpu.memref_squeeze %dma_start3A_388 : memref<1x1x8192xf32, #tpu.memory_space<hbm>> -> memref<8192xf32, #tpu.memory_space<hbm>>
      %dma_start3A_390 = arith.constant 0 : i32
      %dma_start3A_391 = tpu.memref_slice %arg4[%select_n3A_303, %select_n3A_319, %dma_start3A_390] : memref<8x512x8192xf32, #tpu.memory_space<hbm>> -> memref<1x1x8192xf32, #tpu.memory_space<hbm>>
      %dma_start3A_392 = tpu.memref_squeeze %dma_start3A_391 : memref<1x1x8192xf32, #tpu.memory_space<hbm>> -> memref<8192xf32, #tpu.memory_space<hbm>>
      %dma_start3A_393 = arith.constant 8192 : i32
      %dma_start3A_394 = tpu.memref_slice %arg7[%dma_start3A_393] : memref<16384xf32, #tpu.memory_space<vmem>> -> memref<8192xf32, #tpu.memory_space<vmem>>
      tpu.enqueue_dma source(%dma_start3A_394 : memref<8192xf32, #tpu.memory_space<vmem>>) target(%dma_start3A_392 : memref<8192xf32, #tpu.memory_space<hbm>>) target_semaphore(%arg11 : memref<!tpu.dma_semaphore, #tpu.memory_space<semaphore_mem>>)
    }
    %scan3A_46 = arith.constant 64 : i32
    %add3A_47 = arith.constant 128 : i32
    %add3A_48 = arith.addi %mul3A_2, %add3A_47 : i32
    %sub3A_49 = arith.constant 2 : i32
    %sub3A_50 = arith.subi %add3A_48, %sub3A_49 : i32
    %add3A_51 = arith.constant 0 : i32
    %add3A_52 = arith.addi %sub3A_50, %add3A_51 : i32
    %jit3A_53 = arith.constant 512 : i32
    %div3A_54 = arith.divsi %add3A_52, %jit3A_53 : i32
    %sign3A_55 = arith.constant 0 : i32
    %sign3A_56 = arith.cmpi sgt, %add3A_52, %sign3A_55 : i32
    %sign3A_57 = arith.extui %sign3A_56 : i1 to i32
    %sign3A_58 = arith.constant 0 : i32
    %sign3A_59 = arith.cmpi slt, %add3A_52, %sign3A_58 : i32
    %sign3A_60 = arith.extui %sign3A_59 : i1 to i32
    %sign3A_61 = arith.subi %sign3A_57, %sign3A_60 : i32
    %sign3A_62 = arith.constant 0 : i32
    %sign3A_63 = arith.cmpi sgt, %jit3A_53, %sign3A_62 : i32
    %sign3A_64 = arith.extui %sign3A_63 : i1 to i32
    %sign3A_65 = arith.constant 0 : i32
    %sign3A_66 = arith.cmpi slt, %jit3A_53, %sign3A_65 : i32
    %sign3A_67 = arith.extui %sign3A_66 : i1 to i32
    %sign3A_68 = arith.subi %sign3A_64, %sign3A_67 : i32
    %ne3A_69 = arith.cmpi ne, %sign3A_61, %sign3A_68 : i32
    %rem3A_70 = arith.remsi %add3A_52, %jit3A_53 : i32
    %ne3A_71 = arith.constant 0 : i32
    %ne3A_72 = arith.cmpi ne, %rem3A_70, %ne3A_71 : i32
    %and3A_73 = arith.andi %ne3A_69, %ne3A_72 : i1
    %sub3A_74 = arith.constant 1 : i32
    %sub3A_75 = arith.subi %div3A_54, %sub3A_74 : i32
    %select_n3A_76 = arith.select %and3A_73, %sub3A_75, %div3A_54 : i32
    %jit3A_77 = arith.constant 512 : i32
    %eq3A_78 = arith.constant 0 : i32
    %eq3A_79 = arith.cmpi eq, %jit3A_77, %eq3A_78 : i32
    %jit3A_80 = arith.constant 1 : i32
    %select_n3A_81 = arith.select %eq3A_79, %jit3A_80, %jit3A_77 : i32
    %rem3A_82 = arith.remsi %add3A_52, %select_n3A_81 : i32
    %ne3A_83 = arith.constant 0 : i32
    %ne3A_84 = arith.cmpi ne, %rem3A_82, %ne3A_83 : i32
    %lt3A_85 = arith.constant 0 : i32
    %lt3A_86 = arith.cmpi slt, %rem3A_82, %lt3A_85 : i32
    %lt3A_87 = arith.constant 0 : i32
    %lt3A_88 = arith.cmpi slt, %select_n3A_81, %lt3A_87 : i32
    %ne3A_89 = arith.xori %lt3A_86, %lt3A_88 : i1
    %and3A_90 = arith.andi %ne3A_89, %ne3A_84 : i1
    %add3A_91 = arith.addi %rem3A_82, %select_n3A_81 : i32
    %select_n3A_92 = arith.select %and3A_90, %add3A_91, %rem3A_82 : i32
    %dma_wait3A = arith.constant 0 : i32
    %dma_wait3A_93 = tpu.memref_slice %arg7[%dma_wait3A] : memref<16384xf32, #tpu.memory_space<vmem>> -> memref<8192xf32, #tpu.memory_space<vmem>>
    %dma_wait3A_94 = arith.constant 0 : i32
    %dma_wait3A_95 = tpu.memref_slice %arg4[%select_n3A_76, %select_n3A_92, %dma_wait3A_94] : memref<8x512x8192xf32, #tpu.memory_space<hbm>> -> memref<1x1x8192xf32, #tpu.memory_space<hbm>>
    %dma_wait3A_96 = tpu.memref_squeeze %dma_wait3A_95 : memref<1x1x8192xf32, #tpu.memory_space<hbm>> -> memref<8192xf32, #tpu.memory_space<hbm>>
    %dma_wait3A_97 = arith.constant 0 : i32
    %dma_wait3A_98 = tpu.memref_slice %arg4[%select_n3A_76, %select_n3A_92, %dma_wait3A_97] : memref<8x512x8192xf32, #tpu.memory_space<hbm>> -> memref<1x1x8192xf32, #tpu.memory_space<hbm>>
    %dma_wait3A_99 = tpu.memref_squeeze %dma_wait3A_98 : memref<1x1x8192xf32, #tpu.memory_space<hbm>> -> memref<8192xf32, #tpu.memory_space<hbm>>
    %dma_wait3A_100 = arith.constant 0 : i32
    %dma_wait3A_101 = tpu.memref_slice %arg7[%dma_wait3A_100] : memref<16384xf32, #tpu.memory_space<vmem>> -> memref<8192xf32, #tpu.memory_space<vmem>>
    tpu.wait_dma2 semaphore(%arg10 : memref<!tpu.dma_semaphore, #tpu.memory_space<semaphore_mem>>) src(%dma_wait3A_101 : memref<8192xf32, #tpu.memory_space<vmem>>) dst(%dma_wait3A_99 : memref<8192xf32, #tpu.memory_space<hbm>>)
    %add3A_102 = arith.constant 128 : i32
    %add3A_103 = arith.addi %mul3A_2, %add3A_102 : i32
    %sub3A_104 = arith.constant 2 : i32
    %sub3A_105 = arith.subi %add3A_103, %sub3A_104 : i32
    %add3A_106 = arith.constant 1 : i32
    %add3A_107 = arith.addi %sub3A_105, %add3A_106 : i32
    %jit3A_108 = arith.constant 512 : i32
    %div3A_109 = arith.divsi %add3A_107, %jit3A_108 : i32
    %sign3A_110 = arith.constant 0 : i32
    %sign3A_111 = arith.cmpi sgt, %add3A_107, %sign3A_110 : i32
    %sign3A_112 = arith.extui %sign3A_111 : i1 to i32
    %sign3A_113 = arith.constant 0 : i32
    %sign3A_114 = arith.cmpi slt, %add3A_107, %sign3A_113 : i32
    %sign3A_115 = arith.extui %sign3A_114 : i1 to i32
    %sign3A_116 = arith.subi %sign3A_112, %sign3A_115 : i32
    %sign3A_117 = arith.constant 0 : i32
    %sign3A_118 = arith.cmpi sgt, %jit3A_108, %sign3A_117 : i32
    %sign3A_119 = arith.extui %sign3A_118 : i1 to i32
    %sign3A_120 = arith.constant 0 : i32
    %sign3A_121 = arith.cmpi slt, %jit3A_108, %sign3A_120 : i32
    %sign3A_122 = arith.extui %sign3A_121 : i1 to i32
    %sign3A_123 = arith.subi %sign3A_119, %sign3A_122 : i32
    %ne3A_124 = arith.cmpi ne, %sign3A_116, %sign3A_123 : i32
    %rem3A_125 = arith.remsi %add3A_107, %jit3A_108 : i32
    %ne3A_126 = arith.constant 0 : i32
    %ne3A_127 = arith.cmpi ne, %rem3A_125, %ne3A_126 : i32
    %and3A_128 = arith.andi %ne3A_124, %ne3A_127 : i1
    %sub3A_129 = arith.constant 1 : i32
    %sub3A_130 = arith.subi %div3A_109, %sub3A_129 : i32
    %select_n3A_131 = arith.select %and3A_128, %sub3A_130, %div3A_109 : i32
    %jit3A_132 = arith.constant 512 : i32
    %eq3A_133 = arith.constant 0 : i32
    %eq3A_134 = arith.cmpi eq, %jit3A_132, %eq3A_133 : i32
    %jit3A_135 = arith.constant 1 : i32
    %select_n3A_136 = arith.select %eq3A_134, %jit3A_135, %jit3A_132 : i32
    %rem3A_137 = arith.remsi %add3A_107, %select_n3A_136 : i32
    %ne3A_138 = arith.constant 0 : i32
    %ne3A_139 = arith.cmpi ne, %rem3A_137, %ne3A_138 : i32
    %lt3A_140 = arith.constant 0 : i32
    %lt3A_141 = arith.cmpi slt, %rem3A_137, %lt3A_140 : i32
    %lt3A_142 = arith.constant 0 : i32
    %lt3A_143 = arith.cmpi slt, %select_n3A_136, %lt3A_142 : i32
    %ne3A_144 = arith.xori %lt3A_141, %lt3A_143 : i1
    %and3A_145 = arith.andi %ne3A_144, %ne3A_139 : i1
    %add3A_146 = arith.addi %rem3A_137, %select_n3A_136 : i32
    %select_n3A_147 = arith.select %and3A_145, %add3A_146, %rem3A_137 : i32
    %dma_wait3A_148 = arith.constant 8192 : i32
    %dma_wait3A_149 = tpu.memref_slice %arg7[%dma_wait3A_148] : memref<16384xf32, #tpu.memory_space<vmem>> -> memref<8192xf32, #tpu.memory_space<vmem>>
    %dma_wait3A_150 = arith.constant 0 : i32
    %dma_wait3A_151 = tpu.memref_slice %arg4[%select_n3A_131, %select_n3A_147, %dma_wait3A_150] : memref<8x512x8192xf32, #tpu.memory_space<hbm>> -> memref<1x1x8192xf32, #tpu.memory_space<hbm>>
    %dma_wait3A_152 = tpu.memref_squeeze %dma_wait3A_151 : memref<1x1x8192xf32, #tpu.memory_space<hbm>> -> memref<8192xf32, #tpu.memory_space<hbm>>
    %dma_wait3A_153 = arith.constant 0 : i32
    %dma_wait3A_154 = tpu.memref_slice %arg4[%select_n3A_131, %select_n3A_147, %dma_wait3A_153] : memref<8x512x8192xf32, #tpu.memory_space<hbm>> -> memref<1x1x8192xf32, #tpu.memory_space<hbm>>
    %dma_wait3A_155 = tpu.memref_squeeze %dma_wait3A_154 : memref<1x1x8192xf32, #tpu.memory_space<hbm>> -> memref<8192xf32, #tpu.memory_space<hbm>>
    %dma_wait3A_156 = arith.constant 8192 : i32
    %dma_wait3A_157 = tpu.memref_slice %arg7[%dma_wait3A_156] : memref<16384xf32, #tpu.memory_space<vmem>> -> memref<8192xf32, #tpu.memory_space<vmem>>
    tpu.wait_dma2 semaphore(%arg11 : memref<!tpu.dma_semaphore, #tpu.memory_space<semaphore_mem>>) src(%dma_wait3A_157 : memref<8192xf32, #tpu.memory_space<vmem>>) dst(%dma_wait3A_155 : memref<8192xf32, #tpu.memory_space<hbm>>)
    return
  }
}

</mosaic_0001>

<sc_bundles>
// kernel: kernel.3.cloned.1.call-start
scs
__scs_entry_jumppad:
0x0: {  	(pc) =	sbr.rel $0x88, $3  }
0x1: {  	(tag) =	ssettag $0x0;
	lr =	simm.s32 $0x1  }
0x2: {  	[smem:$0x3F9F] =	sst lr;
	_ =	strace $0xD0000000  }
0x3: {  	_ = 	snop  }
0x4: {  	_ = 	snop  }
0x5: {  	_ = 	snop  }
0x6: {  	_ = 	snop  }
0x7: {  	_ = 	snop  }
__scs_overlays_trampoline_lowered:
0x8: {  	[smem:$0x3FAE] =	sst s0  }
0x9: {  	[smem:$0x3FAF] =	sst s1  }
0xa: {  	[smem:$0x3FB0] =	sst s2  }
0xb: {  	[smem:$0x3FB1] =	sst s3  }
0xc: {  	[smem:$0x3FB2] =	sst s4  }
0xd: {  	[smem:$0x3FB3] =	sst s5  }
0xe: {  	[smem:$0x3FB4] =	sst s6  }
0xf: {  	[smem:$0x3FB5] =	sst s7  }
0x10: {  	[smem:$0x3FB6] =	sst s8  }
0x11: {  	[smem:$0x3FB7] =	sst s9;
	s0 =	simm.s32 @!p0 $0x0  }
0x12: {  	s1 =	sld [smem:$0x3F9D];
	s0 =	simm.s32 @p0 $0x1  }
0x13: {  	[smem:$0x3FB8] =	sst s0;
	s0 =	simm.s32 @!p1 $0x0  }
0x14: {  	s2 =	sld [smem:$0x3F9C];
	s0 =	simm.s32 @p1 $0x1  }
0x15: {  	[smem:$0x3FB9] =	sst s0;
	s0 =	simm.s32 @!p2 $0x0  }
0x16: {  	s3 =	sld [smem:$0x3FDB];
	s0 =	simm.s32 @p2 $0x1  }
0x17: {  	s4 =	simm.s32 $0x1BF5;
	[smem:$0x3FBB] =	sst s0  }
0x18: {  	s0 =	sld [smem:$0x3F9E];
	_ =	swait.ge [sflag:s4], $0x0  }
0x19: {  	s7 =	sld [smem:$0x3F9F]  }
0x1a: {  	s8 =	sadd.s32 $0xFFFFE003, lr  }
0x1b: {  	s9 =	sadd.s32 $0xFFFFFEF7, lr;
	s5 =	simm.s32 $0xFFFFFFFF;
	p2 =	slt.u32 s8, $0xFFFFF086  }
0x1c: {  	p1 =	slt.u32 s9, $0xF7A;
	s5 =	simm.s32 @!p2 $0x0  }
0x1d: {  	s5 =	simm.s32 @p1 $0x1;
	p0 =	seq.s32 s7, s2  }
0x1e: {  	s7 =	smul.u32 @!p0 $0xF7A, s2;
	p2 =	seq.s32 @!p0 s5, $0x0  }
0x1f: {  	s9 =	smul.u32 $0xF7A, s1;
	s8 =	simm.s32 @!p0 $0x1BF5;
	p2 =	por !p2, p0  }
0x20: {  	[sflag:s8] =	ssyncset.s32 @!p0 $0xFFFFF086;
	s6 =	sadd.s32 @!p0 s3, s7;
	s7 =	simm.s32 @!p0 $0x108  }
0x21: {  	s3 =	sadd.s32 s3, s9;
	s6 =	sadd.s32 @!p0 $0x88, s6;
	s7 =	simm.s32 @p2 $0x1082  }
0x22: {  	[simem:s7], [sflag:s8] =	dma.local @!p0 [hbm:s6], $0xF7A  }
0x23: {  	s9 =	sor.u32 $0xD0000000, s2;
	s6 =	simm.s32 $0x108;
	_ =	swait.ge @!p0 [sflag:s8], $0x0  }
0x24: {  	s3 =	sadd.s32 $0x88, s3;
	s6 =	simm.s32 @!p1 $0x1082;
	[sflag:s4] =	ssyncset.s32 $0xFFFFF086  }
0x25: {  	[simem:s6], [sflag:s4] =	dma.local [hbm:s3], $0xF7A  }
0x26: {  	[smem:$0x3F9F] =	sst s1;
	(tag) =	ssettag s2;
	_ =	strace s9  }
0x27: {  	s1 =	sld [smem:$0x3FAF]  }
0x28: {  	s2 =	sld [smem:$0x3FB0]  }
0x29: {  	s4 =	sld [smem:$0x3FB2]  }
0x2a: {  	p0 =	seq.s32 s5, $0x0;
	s5 =	sld [smem:$0x3FB3]  }
0x2b: {  	s6 =	sld [smem:$0x3FB4]  }
0x2c: {  	s7 =	sld [smem:$0x3FB5]  }
0x2d: {  	s3 =	simm.s32 $0x108;
	s8 =	sld [smem:$0x3FB6]  }
0x2e: {  	s3 =	simm.s32 @!p0 $0x1082;
	s9 =	sld [smem:$0x3FB7]  }
0x2f: {  	lr =	sadd.s32 s0, s3;
	s0 =	sld [smem:$0x3FAE]  }
0x30: {  	s3 =	sld [smem:$0x3FB1]  }
0x31: {  	[smem:$0x3FBA] =	sst s10  }
0x32: {  	s10 =	sld [smem:$0x3FB8];
	_ =	sdelay $0x3  }
0x33: {  	p0 =	seq.s32 s10, $0x1;
	s10 =	sld [smem:$0x3FBA];
	_ =	sdelay $0x3  }
0x34: {  	[smem:$0x3FBA] =	sst s10  }
0x35: {  	s10 =	sld [smem:$0x3FB9];
	_ =	sdelay $0x3  }
0x36: {  	p1 =	seq.s32 s10, $0x1;
	s10 =	sld [smem:$0x3FBA];
	_ =	sdelay $0x3  }
0x37: {  	[smem:$0x3FBA] =	sst s10  }
0x38: {  	s10 =	sld [smem:$0x3FBB]  }
0x39: {  	_ = 	snop;
	(pc) =	sbr.ind lr, $3  }
0x3a: {  	_ = 	snop  }
0x3b: {  	_ = 	snop  }
0x3c: {  	p2 =	seq.s32 s10, $0x1;
	s10 =	sld [smem:$0x3FBA]  }
0x3d: {  	_ =	shalt  }
0x3e: {  	_ =	shalt  }
0x3f: {  	_ =	shalt  }
0x40: {  	_ =	shalt  }
0x41: {  	_ =	shalt  }
0x42: {  	_ =	shalt  }
0x43: {  	_ =	shalt  }
0x44: {  	_ =	shalt  }
0x45: {  	_ =	shalt  }
0x46: {  	_ =	shalt  }
0x47: {  	_ =	shalt  }
0x48: {  	_ =	shalt  }
0x49: {  	_ =	shalt  }
0x4a: {  	_ =	shalt  }
0x4b: {  	_ =	shalt  }
0x4c: {  	_ =	shalt  }
0x4d: {  	_ =	shalt  }
0x4e: {  	_ =	shalt  }
0x4f: {  	_ =	shalt  }
0x50: {  	_ =	shalt  }
0x51: {  	_ =	shalt  }
0x52: {  	_ =	shalt  }
0x53: {  	_ =	shalt  }
0x54: {  	_ =	shalt  }
0x55: {  	_ =	shalt  }
0x56: {  	_ =	shalt  }
0x57: {  	_ =	shalt  }
0x58: {  	_ =	shalt  }
0x59: {  	_ =	shalt  }
0x5a: {  	_ =	shalt  }
0x5b: {  	_ =	shalt  }
0x5c: {  	_ =	shalt  }
0x5d: {  	_ =	shalt  }
0x5e: {  	_ =	shalt  }
0x5f: {  	_ =	shalt  }
0x60: {  	_ =	shalt  }
0x61: {  	_ =	shalt  }
0x62: {  	_ =	shalt  }
0x63: {  	_ =	shalt  }
0x64: {  	_ =	shalt  }
0x65: {  	_ =	shalt  }
0x66: {  	_ =	shalt  }
0x67: {  	_ =	shalt  }
0x68: {  	_ =	shalt  }
0x69: {  	_ =	shalt  }
0x6a: {  	_ =	shalt  }
0x6b: {  	_ =	shalt  }
0x6c: {  	_ =	shalt  }
0x6d: {  	_ =	shalt  }
0x6e: {  	_ =	shalt  }
0x6f: {  	_ =	shalt  }
0x70: {  	_ =	shalt  }
0x71: {  	_ =	shalt  }
0x72: {  	_ =	shalt  }
0x73: {  	_ =	shalt  }
0x74: {  	_ =	shalt  }
0x75: {  	_ =	shalt  }
0x76: {  	_ =	shalt  }
0x77: {  	_ =	shalt  }
0x78: {  	_ =	shalt  }
0x79: {  	_ =	shalt  }
0x7a: {  	_ =	shalt  }
0x7b: {  	_ =	shalt  }
0x7c: {  	_ =	shalt  }
0x7d: {  	_ =	shalt  }
0x7e: {  	_ =	shalt  }
0x7f: {  	_ =	shalt  }
0x80: {  	_ =	shalt  }
0x81: {  	_ =	shalt  }
0x82: {  	_ =	shalt  }
0x83: {  	_ =	shalt  }
0x84: {  	_ =	shalt  }
0x85: {  	_ =	shalt  }
0x86: {  	_ =	shalt  }
0x87: {  	_ =	shalt  }
.Lfunc_end0:
.L_simem_size_0:
called_computation_lowered:
.L_overlay_start_0:
0x88: {  	s2 =	sld [smem:$0x3FD9]  }
0x89: {  	s3 =	sld [smem:$0x3FFE];
	_ =	sdelay $0x1  }
0x8a: {  	s1 =	srdreg.scid  }
0x8b: {  	s0 =	sand.u32 $0x1, s1  }
0x8c: {  	s17 =	sshll.u32 s0, $0xA;
	s2 =	sadd.s32 s3, s2  }
0x8d: {  	s2 =	sadd.s32 s2, s17  }
0x8e: {  	[smem:$0x3FC6] =	sst s2  }
0x8f: {  	_ = 	snop  }
0x90: {  	s2 =	sld [smem:$0x3FD0];
	(tm) =	ssettm $0x1  }
0x91: {  	s18 =	sld [smem:$0x3FFB];
	_ =	sdelay $0x3  }
0x92: {  	_ =	strace s18  }
0x93: {  	s3 =	sld [smem:$0x3FFC];
	_ =	sdelay $0x3  }
0x94: {  	_ =	strace s3  }
0x95: {  	s3 =	sld [smem:$0x3FFD];
	_ =	sdelay $0x3  }
0x96: {  	_ =	strace s3  }
0x97: {  	_ =	strace $0x8FFFFFFF  }
0x98: {  	s19 =	sld [smem:$0x3FDB];
	_ =	sdelay $0x1  }
0x99: {  	s4 =	simm.s32 $_scs_section_size  }
0x9a: {  	s5 =	simm.s32 $_size__tile_overlayer_lowered;
	s6 =	simm.s32 $_tile_overlayer_lowered  }
0x9b: {  	s22 =	simm.s32 $0x1BFF;
	s21 =	sshll.u32 s6, $0x1;
	s3 =	sadd.s32 s4, s19  }
0x9c: {  	s7 =	simm.s32 $0x0;
	s20 =	sshll.u32 s5, $0x1;
	s5 =	sadd.s32 s21, s3  }
0x9d: {  	[timem:s7], [sflag:s22] =	dma.local [hbm:s5], s20  }
0x9e: {  	_ =	swait.ge [sflag:s22], s20  }
0x9f: {  	s4 =	ssub.s32 $0x0, s20;
	[sflag:s22] =	ssyncset.done $0x0  }
0xa0: {  	[sflag:s22] =	ssyncadd.s32 s4;
	_ =	sdelay $0x1  }
0xa1: {  	s23 =	simm.s32 $0x1B8B  }
0xa2: {  	_ =	swait.ge [sflag:s23], $0x1  }
0xa3: {  	[sflag:s23] =	ssyncset.done $0x0  }
0xa4: {  	s25 =	simm.s32 $0x1B8E;
	s24 =	sld [smem:$0x3FFE];
	[sflag:s23] =	ssyncadd.s32 $0xFFFFFFFF  }
0xa5: {  	s26 =	simm.s32 $execute0_lowered;
	[smem:$0x3FD2] =	sst s25  }
0xa6: {  	s5 =	sshll.u32 s26, $0x1;
	_ =	strace $0x80000046;
	[dreg:$0x1] =	wrdreg $0xFFFFFFFF  }
0xa7: {  	s28 =	simm.s32 $_size_execute0_lowered;
	s3 =	sadd.s32 s3, s5;
	[dreg:$0x0] =	wrdreg $0x0  }
0xa8: {  	s5 =	sshll.u32 s28, $0x1;
	[dreg:$0x2] =	wrdreg s3  }
0xa9: {  	[dreg:$0x3] =	wrdreg s5  }
0xaa: {  	[dreg:$0x4] =	wrdreg $0xC0  }
0xab: {  	_ =	task [dreg:s7], $0x5FFFF  }
0xac: {  	[dreg:$0x1] =	wrdreg $0xFFFFFFFF  }
0xad: {  	[dreg:$0x0] =	wrdreg $0x60  }
0xae: {  	[dreg:$0x2] =	wrdreg s24  }
0xaf: {  	[dreg:$0x3] =	wrdreg s2  }
0xb0: {  	[dreg:$0x4] =	wrdreg $0x9  }
0xb1: {  	_ =	task.clear_ibuf [dreg:s7], $0x5FFFF;
	_ =	strace $0x90000046  }
0xb2: {  	s29 =	simm.s32 $0x9;
	_ =	strace $0x80000048  }
0xb3: {  	_ =	swait.ge [sflag:s29], $0x1  }
0xb4: {  	[sflag:s29] =	ssyncadd.s32 $0xFFFFFFFF  }
0xb5: {  	_ =	strace $0x90000048  }
0xb6: {  	_ =	sfence  }
0xb7: {  	s30 =	sld [smem:$0x0];
	_ =	sdelay $0x2  }
0xb8: {  	s31 =	sshll.u32 s1, $0xD;
	s1 =	sshrl.u32 s1, $0x2  }
0xb9: {  	s3 =	sand.u32 $0x4000, s31;
	s1 =	sadd.s32 s1, s30  }
0xba: {  	s0 =	sor.u32 s3, s0;
	s1 =	sshll.u32 s1, $0x11  }
0xbb: {  	s0 =	sor.u32 s1, s0  }
0xbc: {  	s0 =	sadd.s32 $0x8F2B, s0  }
0xbd: {  	[sflag:s0] =	ssyncadd.remote.s32 $0x1  }
0xbe: {  	_ =	sfence.sel $0xFFFF  }
0xbf: {  	[dreg:$0x0] =	wrdreg $0xFFFFFFFF;
	(pc) =	sbr.abs _section_cstart, $3  }
0xc0: {  	[dreg:$0x1] =	wrdreg $0xFFFFFFFF  }
0xc1: {  	_ =	task.clear_ibuf [dreg:s7], $0x2FFFF;
	_ =	strace $0x9FFFFFFF  }
0xc2: {  	(tm) =	ssettm $0x7FFFFFFF  }
0xc3: {  	_ =	shalt  }
tec
execute0_lowered:
.L_overlay_start_1:
0x0: {  	(tag) =	ssettag $0x1  }
0x1: {  	s9 =	rddreg [dreg:$0x0]  }
0x2: {  	s7 =	rddreg [dreg:$0x1]  }
0x3: {  	s0 =	rddreg [dreg:$0x2];
	s1 =	simm.s32 $0x0  }
0x4: {  	s2 =	srdreg.scid;
	s13 =	simm.s32 $0x2200;
	s14 =	simm.s32 $0x2400  }
0x5: {  	s15 =	simm.s32 $0x2;
	s16 =	simm.s32 $0x4400;
	s17 =	simm.s32 $0x3  }
0x6: {  	s18 =	simm.s32 $0x4;
	s19 =	simm.s32 $0x0;
	[smem:$0x7FF] =	sst s1  }
0x7: {  	s4 =	sand.u32 $0x1, s2;
	s3 =	sadd.s32 $0x400, s9;
	s6 =	sadd.s32 $0x800, s9  }
0x8: {  	s2 =	stileid.u32;
	s9 =	sadd.s32 $0x840, s9;
	_ =	strace $0x80000047  }
0x9: {  	s5 =	ssub.s32 $0x2, s4;
	s30 =	sshll.u32 s2, $0x8;
	s4 =	sshll.u32 s4, $0x7  }
0xa: {  	s31 =	sshll.u32 s2, $0xE;
	s10 =	sshll.u32 s2, $0x12;
	s8 =	sshrl.u32 s5, $0x1  }
0xb: {  	s4 =	sor.u32 s4, s30;
	s12 =	sand.u32 $0x38000, s31;
	s10 =	sand.u32 $0x380000, s10  }
0xc: {  	s8 =	ssub.s32 s5, s8;
	s11 =	sshll.u32 s4, $0x6;
	s7 =	sadd.s32 s7, s10  }
0xd: {  	s10 =	simm.s32 $0x5;
	s5 =	sadd.s32 s6, s11;
	s6 =	sadd.s32 s6, s12  }
0xe: {  	s8 =	smax.u32 s8, $0x1;
	s11 =	simm.s32 $0x2000;
	s12 =	simm.s32 $0x1  }
.LBB2_1:
0xf: {  	[tilespmem:s1], [sflag:$0x5] =	stream.linear.gather [hbm4b:s3+s1], $0x2000, $0x38;
	[tilespmem:$0x6400] =	vst v63  }
0x10: {  	_ =	swait.ge [sflag:s10], $0x2000  }
0x11: {  	[sflag:s10] =	ssyncset.done $0x0  }
0x12: {  	s20 =	simm.s32 $0x0;
	[sflag:s10] =	ssyncadd.s32 $0xFFFFE000  }
0x13: {  	[tilespmem:s11], [sflag:$0x1] =	stream.linear.gather [hbm4b:s5+s1], $0x200, $0x38;
	[tilespmem:$0x6400] =	vst v63  }
.LBB2_2:
0x14: {  	s21 =	sshll.u32 s20, $0x1  }
0x15: {  	s21 =	sor.u32 s4, s21  }
0x16: {  	s22 =	sshll.u32 s21, $0x6  }
0x17: {  	_ =	swait.ge [sflag:s12], $0x200;
	s22 =	sand.u32 $0x7F80, s22  }
0x18: {  	[sflag:s12] =	ssyncset.done $0x0;
	s22 =	sadd.s32 s22, s6  }
0x19: {  	p0 =	seq.s32 s20, $0x0;
	[sflag:s12] =	ssyncadd.s32 $0xFFFFFE00;
	s22 =	sadd.s32 $0x40, s22  }
0x1a: {  	[tilespmem:s13], [sflag:$0x2] =	stream.linear.gather [hbm4b:s22+s1], $0x200, $0x38;
	[tilespmem:$0x6400] =	vst v63  }
0x1b: {  	s22 =	simm.s32 @!p0 $0x3  }
0x1c: {  	_ =	swait.ge @!p0 [sflag:s22], $0x2000  }
0x1d: {  	[sflag:s22] =	ssyncset.done @!p0 $0x0  }
0x1e: {  	s30 =	simm.s32 $0x2010;
	[sflag:s22] =	ssyncadd.s32 @!p0 $0xFFFFE000  }
0x1f: {  	v0 =	vld [tilespmem:s30+$0x0];
	_ =	sdelay $0x4  }
0x20: {  	v0 =	vshll.u32 v0, $0x4  }
0x21: {  	v2 =	vor.u32 $0x1, v0  }
0x22: {  	v3 =	vor.u32 $0x2, v0  }
0x23: {  	v4 =	vor.u32 $0x3, v0  }
0x24: {  	v5 =	vld [tilespmem:s30+$0xFFFFFFF0];
	v6 =	vor.u32 $0x4, v0  }
0x25: {  	v7 =	vor.u32 $0x5, v0;
	v1 =	vld.idx.msk [tilespmem:v0+s1+$0x0], $0xffff  }
0x26: {  	v8 =	vor.u32 $0x6, v0;
	v2 =	vld.idx.msk [tilespmem:v2+s1+$0x0], $0xffff  }
0x27: {  	v9 =	vor.u32 $0x7, v0;
	v3 =	vld.idx.msk [tilespmem:v3+s1+$0x0], $0xffff  }
0x28: {  	v10 =	vor.u32 $0x8, v0;
	v4 =	vld.idx.msk [tilespmem:v4+s1+$0x0], $0xffff  }
0x29: {  	v11 =	vor.u32 $0xF, v0;
	v6 =	vld.idx.msk [tilespmem:v6+s1+$0x0], $0xffff  }
0x2a: {  	v12 =	vor.u32 $0x9, v0;
	v7 =	vld.idx.msk [tilespmem:v7+s1+$0x0], $0xffff  }
0x2b: {  	v13 =	vor.u32 $0xA, v0;
	v8 =	vld.idx.msk [tilespmem:v8+s1+$0x0], $0xffff  }
0x2c: {  	v14 =	vor.u32 $0xD, v0;
	v16 =	vld.idx.msk [tilespmem:v9+s1+$0x0], $0xffff  }
0x2d: {  	v9 =	vor.u32 $0xB, v0;
	v23 =	vld.idx.msk [tilespmem:v10+s1+$0x0], $0xffff  }
0x2e: {  	v10 =	vor.u32 $0xC, v0;
	v11 =	vld.idx.msk [tilespmem:v11+s1+$0x0], $0xffff  }
0x2f: {  	v17 =	vld.idx.msk [tilespmem:v12+s1+$0x0], $0xffff;
	v12 =	vor.u32 $0xE, v0;
	v0 =	vshll.u32 v5, $0x4  }
0x30: {  	s22 =	simm.s32 $0x0;
	v18 =	vld.idx.msk [tilespmem:v13+s1+$0x0], $0xffff;
	v5 =	vor.u32 $0x1, v0  }
0x31: {  	s23 =	simm.s32 $0x10;
	s24 =	sand.u32 $0xC00, s22;
	v21 =	vld.idx.msk [tilespmem:v14+s1+$0x0], $0xffff;
	v14 =	vor.u32 $0x4, v0  }
0x32: {  	s25 =	sand.u32 $0x70, s23;
	s24 =	sadd.s32 $0x2400, s24;
	v26 =	vor.u32 $0x8, v0;
	v19 =	vld.idx.msk [tilespmem:v9+s1+$0x0], $0xffff  }
0x33: {  	s28 =	sor.u32 s25, s24;
	v9 =	vor.u32 $0x2, v0;
	v20 =	vld.idx.msk [tilespmem:v10+s1+$0x0], $0xffff  }
0x34: {  	v10 =	vor.u32 $0x3, v0;
	v22 =	vld.idx.msk [tilespmem:v12+s1+$0x0], $0xffff;
	[tilespmem:s28+$0x1380] =	vst v11  }
0x35: {  	v24 =	vor.u32 $0x5, v0;
	[tilespmem:s28+$0x80] =	vst v2;
	v15 =	vld.idx.msk [tilespmem:v5+s1+$0x0], $0xffff  }
0x36: {  	v25 =	vor.u32 $0x6, v0;
	[tilespmem:s28+$0x100] =	vst v3;
	v11 =	vld.idx.msk [tilespmem:v14+s1+$0x0], $0xffff  }
0x37: {  	v2 =	vor.u32 $0x7, v0;
	[tilespmem:s28+$0x380] =	vst v16;
	v16 =	vld.idx.msk [tilespmem:v26+s1+$0x0], $0xffff  }
0x38: {  	[tilespmem:s28+$0x180] =	vst v4;
	v13 =	vld.idx.msk [tilespmem:v9+s1+$0x0], $0xffff  }
0x39: {  	[tilespmem:s28+$0x200] =	vst v6;
	v12 =	vld.idx.msk [tilespmem:v10+s1+$0x0], $0xffff  }
0x3a: {  	s31 =	simm.s32 $0x0;
	[tilespmem:s28+$0x280] =	vst v7;
	v5 =	vor.u32 $0x9, v0;
	v9 =	vld.idx.msk [tilespmem:v24+s1+$0x0], $0xffff  }
0x3b: {  	s26 =	sand.u32 $0x60, s31;
	[tilespmem:s28+$0x300] =	vst v8;
	v6 =	vor.u32 $0xA, v0;
	v8 =	vor.u32 $0xB, v0;
	v4 =	vor.u32 $0xC, v0;
	v10 =	vld.idx.msk [tilespmem:v25+s1+$0x0], $0xffff  }
0x3c: {  	s25 =	simm.s32 $0x0;
	s24 =	sor.u32 s26, s24;
	s26 =	simm.s32 $0x2030;
	v7 =	vor.u32 $0xD, v0;
	v3 =	vor.u32 $0xE, v0;
	[tilespmem:s28+$0x1000] =	vst v23;
	v14 =	vld.idx.msk [tilespmem:v2+s1+$0x0], $0xffff;
	v2 =	vor.u32 $0xF, v0  }
.LBB2_3:
0x3d: {  	v23 =	vld [tilespmem:s26+$0x0];
	[tilespmem:s28+$0x1080] =	vst v17  }
0x3e: {  	v17 =	vld [tilespmem:s26+$0xFFFFFFF0];
	[tilespmem:s28+$0x1100] =	vst v18  }
0x3f: {  	v18 =	vld.idx.msk [tilespmem:v5+s1+$0x0], $0xffff;
	[tilespmem:s28+$0x1180] =	vst v19  }
0x40: {  	v19 =	vld.idx.msk [tilespmem:v6+s1+$0x0], $0xffff;
	[tilespmem:s28+$0x1200] =	vst v20  }
0x41: {  	v20 =	vld.idx.msk [tilespmem:v8+s1+$0x0], $0xffff;
	[tilespmem:s28+$0x1280] =	vst v21  }
0x42: {  	v21 =	vshll.u32 v23, $0x4;
	v23 =	vld.idx.msk [tilespmem:v4+s1+$0x0], $0xffff;
	[tilespmem:s28+$0x1300] =	vst v22  }
0x43: {  	v4 =	vshll.u32 v17, $0x4;
	v8 =	vor.u32 $0x1, v21;
	v22 =	vld.idx.msk [tilespmem:v7+s1+$0x0], $0xffff;
	[tilespmem:s28+$0x0] =	vst v1  }
0x44: {  	v7 =	vor.u32 $0x2, v21;
	v24 =	vor.u32 $0x1, v4;
	v25 =	vor.u32 $0x2, v4;
	v26 =	vld.idx.msk [tilespmem:v3+s1+$0x0], $0xffff  }
0x45: {  	s25 =	sadd.s32 $0x2, s25;
	v17 =	vor.u32 $0x3, v21;
	v27 =	vor.u32 $0x3, v4;
	v28 =	vor.u32 $0x4, v4;
	v29 =	vld.idx.msk [tilespmem:v2+s1+$0x0], $0xffff  }
0x46: {  	p0 =	slt.u32 s25, $0x1E;
	v32 =	vor.u32 $0x4, v21;
	v30 =	vor.u32 $0x5, v4;
	v31 =	vor.u32 $0x6, v4;
	v33 =	vld.idx.msk [tilespmem:v0+s1+$0x0], $0xffff;
	[tilespmem:s24+$0x80] =	vst v15;
	v0 =	vmovc v4  }
0x47: {  	v15 =	vor.u32 $0x5, v21;
	v34 =	vor.u32 $0x7, v0;
	v35 =	vor.u32 $0x8, v0;
	v1 =	vld.idx.msk [tilespmem:v21+s1+$0x0], $0xffff;
	[tilespmem:s24+$0x100] =	vst v13  }
0x48: {  	v36 =	vor.u32 $0x6, v21;
	v5 =	vor.u32 $0x9, v0;
	v6 =	vor.u32 $0xA, v0;
	v13 =	vld.idx.msk [tilespmem:v8+s1+$0x0], $0xffff;
	[tilespmem:s24+$0x180] =	vst v12  }
0x49: {  	v37 =	vor.u32 $0x7, v21;
	v4 =	vor.u32 $0xC, v0;
	v8 =	vor.u32 $0xB, v0;
	v12 =	vld.idx.msk [tilespmem:v7+s1+$0x0], $0xffff;
	[tilespmem:s24+$0x200] =	vst v11  }
0x4a: {  	v3 =	vor.u32 $0xE, v0;
	v7 =	vor.u32 $0xD, v0;
	v11 =	vld.idx.msk [tilespmem:v17+s1+$0x0], $0xffff;
	v17 =	vor.u32 $0x8, v21;
	[tilespmem:s24+$0x280] =	vst v9  }
0x4b: {  	v2 =	vor.u32 $0xF, v0;
	v9 =	vld.idx.msk [tilespmem:v32+s1+$0x0], $0xffff;
	v32 =	vor.u32 $0xF, v21;
	[tilespmem:s24+$0x300] =	vst v10  }
0x4c: {  	v10 =	vld.idx.msk [tilespmem:v15+s1+$0x0], $0xffff;
	v15 =	vor.u32 $0x9, v21;
	[tilespmem:s24+$0x380] =	vst v14  }
0x4d: {  	v14 =	vld.idx.msk [tilespmem:v36+s1+$0x0], $0xffff;
	v36 =	vor.u32 $0xA, v21;
	[tilespmem:s24+$0x1000] =	vst v16  }
0x4e: {  	v16 =	vld.idx.msk [tilespmem:v37+s1+$0x0], $0xffff;
	v37 =	vor.u32 $0xB, v21;
	[tilespmem:s24+$0x1080] =	vst v18  }
0x4f: {  	v39 =	vor.u32 $0xC, v21;
	v38 =	vld.idx.msk [tilespmem:v17+s1+$0x0], $0xffff;
	[tilespmem:s24+$0x1100] =	vst v19  }
0x50: {  	v40 =	vor.u32 $0xD, v21;
	v32 =	vld.idx.msk [tilespmem:v32+s1+$0x0], $0xffff;
	[tilespmem:s24+$0x1180] =	vst v20  }
0x51: {  	v17 =	vld.idx.msk [tilespmem:v15+s1+$0x0], $0xffff;
	v15 =	vor.u32 $0xE, v21;
	[tilespmem:s24+$0x1200] =	vst v23  }
0x52: {  	s22 =	sadd.s32 $0x100, s22;
	v18 =	vld.idx.msk [tilespmem:v36+s1+$0x0], $0xffff;
	[tilespmem:s24+$0x1280] =	vst v22  }
0x53: {  	s23 =	sadd.s32 $0x20, s23;
	s28 =	sand.u32 $0xC00, s22;
	v19 =	vld.idx.msk [tilespmem:v37+s1+$0x0], $0xffff;
	[tilespmem:s24+$0x1300] =	vst v26  }
0x54: {  	s29 =	sadd.s32 $0xFFFFFFF0, s23;
	s30 =	sadd.s32 $0x2400, s28;
	s28 =	sand.u32 $0x70, s23;
	v20 =	vld.idx.msk [tilespmem:v39+s1+$0x0], $0xffff;
	[tilespmem:s24+$0x1380] =	vst v29  }
0x55: {  	s29 =	sand.u32 $0x60, s29;
	s28 =	sor.u32 s28, s30;
	v21 =	vld.idx.msk [tilespmem:v40+s1+$0x0], $0xffff;
	[tilespmem:s24+$0x0] =	vst v33  }
0x56: {  	s24 =	sor.u32 s29, s30;
	v22 =	vld.idx.msk [tilespmem:v15+s1+$0x0], $0xffff;
	[tilespmem:s28+$0x1380] =	vst v32  }
0x57: {  	v15 =	vld.idx.msk [tilespmem:v24+s1+$0x0], $0xffff;
	[tilespmem:s28+$0x80] =	vst v13  }
0x58: {  	v13 =	vld.idx.msk [tilespmem:v25+s1+$0x0], $0xffff;
	[tilespmem:s28+$0x100] =	vst v12  }
0x59: {  	v12 =	vld.idx.msk [tilespmem:v27+s1+$0x0], $0xffff;
	[tilespmem:s28+$0x180] =	vst v11  }
.Ltmp0:
0x5a: {  	v11 =	vld.idx.msk [tilespmem:v28+s1+$0x0], $0xffff;
	[tilespmem:s28+$0x200] =	vst v9;
	(pc) =	sbr.rel @p0 .LBB2_3-.Ltmp0, $4  }
0x5b: {  	v9 =	vld.idx.msk [tilespmem:v30+s1+$0x0], $0xffff;
	[tilespmem:s28+$0x280] =	vst v10  }
0x5c: {  	v10 =	vld.idx.msk [tilespmem:v31+s1+$0x0], $0xffff;
	[tilespmem:s28+$0x300] =	vst v14  }
0x5d: {  	v14 =	vld.idx.msk [tilespmem:v34+s1+$0x0], $0xffff;
	[tilespmem:s28+$0x380] =	vst v16  }
0x5e: {  	s26 =	sadd.s32 $0x20, s26;
	v16 =	vld.idx.msk [tilespmem:v35+s1+$0x0], $0xffff;
	[tilespmem:s28+$0x1000] =	vst v38  }
0x5f: {  	_ =	sdelay $0x3  }
0x60: {  	v5 =	vld.idx.msk [tilespmem:v5+s1+$0x0], $0xffff;
	[tilespmem:s28+$0x1080] =	vst v17  }
0x61: {  	v6 =	vld.idx.msk [tilespmem:v6+s1+$0x0], $0xffff;
	[tilespmem:s28+$0x1100] =	vst v18  }
0x62: {  	v8 =	vld.idx.msk [tilespmem:v8+s1+$0x0], $0xffff;
	[tilespmem:s28+$0x1180] =	vst v19  }
0x63: {  	v4 =	vld.idx.msk [tilespmem:v4+s1+$0x0], $0xffff;
	[tilespmem:s28+$0x1200] =	vst v20  }
0x64: {  	v7 =	vld.idx.msk [tilespmem:v7+s1+$0x0], $0xffff;
	[tilespmem:s28+$0x1280] =	vst v21  }
0x65: {  	v3 =	vld.idx.msk [tilespmem:v3+s1+$0x0], $0xffff;
	[tilespmem:s28+$0x1300] =	vst v22  }
0x66: {  	v2 =	vld.idx.msk [tilespmem:v2+s1+$0x0], $0xffff;
	[tilespmem:s28+$0x0] =	vst v1  }
0x67: {  	v0 =	vld.idx.msk [tilespmem:v0+s1+$0x0], $0xffff;
	[tilespmem:s24+$0x80] =	vst v15  }
0x68: {  	[tilespmem:s24+$0x100] =	vst v13  }
0x69: {  	[tilespmem:s24+$0x180] =	vst v12  }
0x6a: {  	[tilespmem:s24+$0x200] =	vst v11  }
0x6b: {  	[tilespmem:s24+$0x280] =	vst v9  }
0x6c: {  	[tilespmem:s24+$0x300] =	vst v10  }
0x6d: {  	[tilespmem:s24+$0x380] =	vst v14  }
0x6e: {  	[tilespmem:s24+$0x1000] =	vst v16  }
0x6f: {  	[tilespmem:s24+$0x1080] =	vst v5  }
0x70: {  	[tilespmem:s24+$0x1100] =	vst v6  }
0x71: {  	[tilespmem:s24+$0x1180] =	vst v8  }
0x72: {  	[tilespmem:s24+$0x1200] =	vst v4  }
0x73: {  	[tilespmem:s24+$0x1280] =	vst v7  }
0x74: {  	s22 =	sshll.u32 s21, $0xA;
	[tilespmem:s24+$0x1300] =	vst v3  }
0x75: {  	s22 =	sand.u32 $0x7F800, s22;
	[tilespmem:s24+$0x1380] =	vst v2  }
0x76: {  	p0 =	seq.s32 s20, $0x3F;
	s22 =	sadd.s32 s22, s7;
	[tilespmem:s24+$0x0] =	vst v0  }
0x77: {  	[hbm4b:s22+s1] =	stream.linear.scatter [tilespmem:s14], [sflag:$0x3], $0x2000, $0x38;
	[tilespmem:$0x6400] =	vst v63  }
0x78: {  	s21 =	sor.u32 $0x1, s21;
	p1 =	seq.s32 @!p0 s20, $0x0;
	_ =	swait.ge [sflag:s15], $0x200  }
0x79: {  	s23 =	simm.s32 @!p0 $0x0;
	s22 =	sshll.u32 @!p0 s21, $0x6;
	[sflag:s15] =	ssyncset.done $0x0  }
0x7a: {  	s24 =	simm.s32 @!p0 $0x2000;
	s22 =	sadd.s32 @!p0 s9, s22;
	[sflag:s15] =	ssyncadd.s32 $0xFFFFFE00  }
0x7b: {  	[tilespmem:s24], [sflag:$0x1] =	stream.linear.gather @!p0 [hbm4b:s22+s23], $0x200, $0x38;
	[tilespmem:$0x6400] =	vst v63  }
0x7c: {  	p0 =	por p0, !p1  }
0x7d: {  	_ =	swait.ge @p0 [sflag:s18], $0x2000  }
0x7e: {  	[sflag:s18] =	ssyncset.done @p0 $0x0  }
0x7f: {  	s29 =	simm.s32 $0x2210;
	[sflag:s18] =	ssyncadd.s32 @p0 $0xFFFFE000  }
0x80: {  	v0 =	vld [tilespmem:s29+$0x0];
	_ =	sdelay $0x4  }
0x81: {  	v0 =	vshll.u32 v0, $0x4  }
0x82: {  	v2 =	vor.u32 $0x1, v0  }
0x83: {  	v3 =	vor.u32 $0x2, v0  }
0x84: {  	v4 =	vor.u32 $0x3, v0  }
0x85: {  	v5 =	vld [tilespmem:s29+$0xFFFFFFF0];
	v6 =	vor.u32 $0x4, v0  }
0x86: {  	v7 =	vor.u32 $0x5, v0;
	v1 =	vld.idx.msk [tilespmem:v0+s1+$0x0], $0xffff  }
0x87: {  	v8 =	vor.u32 $0x6, v0;
	v2 =	vld.idx.msk [tilespmem:v2+s1+$0x0], $0xffff  }
0x88: {  	v9 =	vor.u32 $0x7, v0;
	v3 =	vld.idx.msk [tilespmem:v3+s1+$0x0], $0xffff  }
0x89: {  	v10 =	vor.u32 $0x8, v0;
	v4 =	vld.idx.msk [tilespmem:v4+s1+$0x0], $0xffff  }
0x8a: {  	v11 =	vor.u32 $0xF, v0;
	v6 =	vld.idx.msk [tilespmem:v6+s1+$0x0], $0xffff  }
0x8b: {  	v12 =	vld.idx.msk [tilespmem:v7+s1+$0x0], $0xffff;
	v7 =	vor.u32 $0x9, v0  }
0x8c: {  	v13 =	vor.u32 $0xD, v0;
	v16 =	vld.idx.msk [tilespmem:v8+s1+$0x0], $0xffff  }
0x8d: {  	v8 =	vor.u32 $0xA, v0;
	v23 =	vld.idx.msk [tilespmem:v9+s1+$0x0], $0xffff  }
0x8e: {  	v9 =	vor.u32 $0xB, v0;
	v24 =	vld.idx.msk [tilespmem:v10+s1+$0x0], $0xffff  }
0x8f: {  	v10 =	vor.u32 $0xC, v0;
	v11 =	vld.idx.msk [tilespmem:v11+s1+$0x0], $0xffff  }
0x90: {  	v17 =	vld.idx.msk [tilespmem:v7+s1+$0x0], $0xffff;
	v7 =	vor.u32 $0xE, v0;
	v0 =	vshll.u32 v5, $0x4  }
0x91: {  	v21 =	vld.idx.msk [tilespmem:v13+s1+$0x0], $0xffff;
	v5 =	vor.u32 $0x1, v0  }
0x92: {  	s23 =	simm.s32 $0x0;
	v18 =	vld.idx.msk [tilespmem:v8+s1+$0x0], $0xffff;
	v8 =	vor.u32 $0x2, v0  }
0x93: {  	s30 =	sand.u32 $0x60, s23;
	s31 =	sand.u32 $0xC00, s23;
	v19 =	vld.idx.msk [tilespmem:v9+s1+$0x0], $0xffff;
	v9 =	vor.u32 $0x3, v0  }
0x94: {  	s22 =	sor.u32 s30, s31;
	v20 =	vld.idx.msk [tilespmem:v10+s1+$0x0], $0xffff;
	v10 =	vor.u32 $0x4, v0  }
0x95: {  	v25 =	vor.u32 $0x6, v0;
	v22 =	vld.idx.msk [tilespmem:v7+s1+$0x0], $0xffff;
	[tilespmem:s22+$0x5790] =	vst v11  }
0x96: {  	v26 =	vor.u32 $0x8, v0;
	[tilespmem:s22+$0x4490] =	vst v2;
	v15 =	vld.idx.msk [tilespmem:v5+s1+$0x0], $0xffff  }
0x97: {  	v7 =	vor.u32 $0x5, v0;
	[tilespmem:s22+$0x4510] =	vst v3;
	v14 =	vld.idx.msk [tilespmem:v8+s1+$0x0], $0xffff  }
0x98: {  	v2 =	vor.u32 $0x7, v0;
	[tilespmem:s22+$0x4590] =	vst v4;
	v13 =	vld.idx.msk [tilespmem:v9+s1+$0x0], $0xffff  }
0x99: {  	[tilespmem:s22+$0x4610] =	vst v6;
	v11 =	vld.idx.msk [tilespmem:v10+s1+$0x0], $0xffff  }
0x9a: {  	[tilespmem:s22+$0x4690] =	vst v12;
	v8 =	vld.idx.msk [tilespmem:v25+s1+$0x0], $0xffff  }
0x9b: {  	[tilespmem:s22+$0x4710] =	vst v16;
	v9 =	vor.u32 $0x9, v0;
	v16 =	vld.idx.msk [tilespmem:v26+s1+$0x0], $0xffff  }
0x9c: {  	v6 =	vor.u32 $0xA, v0;
	v4 =	vor.u32 $0xC, v0;
	[tilespmem:s22+$0x4790] =	vst v23;
	v3 =	vor.u32 $0xE, v0;
	v7 =	vld.idx.msk [tilespmem:v7+s1+$0x0], $0xffff  }
0x9d: {  	s25 =	simm.s32 $0x2230;
	s26 =	simm.s32 $0x0;
	s24 =	simm.s32 $0x0;
	[tilespmem:s22+$0x5410] =	vst v24;
	v10 =	vor.u32 $0xB, v0;
	v5 =	vor.u32 $0xD, v0;
	v12 =	vld.idx.msk [tilespmem:v2+s1+$0x0], $0xffff;
	v2 =	vor.u32 $0xF, v0  }
.LBB2_5:
0x9e: {  	v23 =	vld [tilespmem:s25+$0x0];
	[tilespmem:s22+$0x5490] =	vst v17  }
0x9f: {  	v17 =	vld [tilespmem:s25+$0xFFFFFFF0];
	[tilespmem:s22+$0x5510] =	vst v18  }
0xa0: {  	v18 =	vld.idx.msk [tilespmem:v9+s1+$0x0], $0xffff;
	[tilespmem:s22+$0x5590] =	vst v19  }
0xa1: {  	v19 =	vld.idx.msk [tilespmem:v6+s1+$0x0], $0xffff;
	[tilespmem:s22+$0x5610] =	vst v20  }
0xa2: {  	v20 =	vld.idx.msk [tilespmem:v10+s1+$0x0], $0xffff;
	[tilespmem:s22+$0x5690] =	vst v21  }
0xa3: {  	v21 =	vshll.u32 v23, $0x4;
	v23 =	vld.idx.msk [tilespmem:v4+s1+$0x0], $0xffff;
	[tilespmem:s22+$0x5710] =	vst v22  }
0xa4: {  	v4 =	vshll.u32 v17, $0x4;
	v10 =	vor.u32 $0x1, v21;
	v22 =	vld.idx.msk [tilespmem:v5+s1+$0x0], $0xffff;
	[tilespmem:s22+$0x4410] =	vst v1  }
0xa5: {  	v5 =	vor.u32 $0x2, v21;
	v24 =	vor.u32 $0x1, v4;
	v25 =	vor.u32 $0x2, v4;
	v26 =	vld.idx.msk [tilespmem:v3+s1+$0x0], $0xffff  }
0xa6: {  	s24 =	sadd.s32 $0x2, s24;
	v17 =	vor.u32 $0x3, v21;
	v27 =	vor.u32 $0x3, v4;
	v28 =	vor.u32 $0x4, v4;
	v29 =	vld.idx.msk [tilespmem:v2+s1+$0x0], $0xffff  }
0xa7: {  	p0 =	slt.u32 s24, $0x1E;
	v32 =	vor.u32 $0x4, v21;
	v30 =	vor.u32 $0x5, v4;
	v31 =	vor.u32 $0x6, v4;
	v33 =	vld.idx.msk [tilespmem:v0+s1+$0x0], $0xffff;
	[tilespmem:s22+$0x4480] =	vst v15;
	v0 =	vmovc v4  }
0xa8: {  	v15 =	vor.u32 $0x5, v21;
	v34 =	vor.u32 $0x7, v0;
	v35 =	vor.u32 $0x8, v0;
	v1 =	vld.idx.msk [tilespmem:v21+s1+$0x0], $0xffff;
	[tilespmem:s22+$0x4500] =	vst v14  }
0xa9: {  	v36 =	vor.u32 $0x6, v21;
	v9 =	vor.u32 $0x9, v0;
	v6 =	vor.u32 $0xA, v0;
	v14 =	vld.idx.msk [tilespmem:v10+s1+$0x0], $0xffff;
	[tilespmem:s22+$0x4580] =	vst v13  }
0xaa: {  	v37 =	vor.u32 $0x7, v21;
	v4 =	vor.u32 $0xC, v0;
	v10 =	vor.u32 $0xB, v0;
	v13 =	vld.idx.msk [tilespmem:v5+s1+$0x0], $0xffff;
	[tilespmem:s22+$0x4600] =	vst v11  }
0xab: {  	v3 =	vor.u32 $0xE, v0;
	v5 =	vor.u32 $0xD, v0;
	v11 =	vld.idx.msk [tilespmem:v17+s1+$0x0], $0xffff;
	v17 =	vor.u32 $0x8, v21;
	[tilespmem:s22+$0x4680] =	vst v7  }
0xac: {  	v2 =	vor.u32 $0xF, v0;
	v7 =	vld.idx.msk [tilespmem:v32+s1+$0x0], $0xffff;
	v32 =	vor.u32 $0xF, v21;
	[tilespmem:s22+$0x4700] =	vst v8  }
0xad: {  	v8 =	vld.idx.msk [tilespmem:v15+s1+$0x0], $0xffff;
	v15 =	vor.u32 $0x9, v21;
	[tilespmem:s22+$0x4780] =	vst v12  }
0xae: {  	v12 =	vld.idx.msk [tilespmem:v36+s1+$0x0], $0xffff;
	v36 =	vor.u32 $0xA, v21;
	[tilespmem:s22+$0x5400] =	vst v16  }
0xaf: {  	v16 =	vld.idx.msk [tilespmem:v37+s1+$0x0], $0xffff;
	v37 =	vor.u32 $0xB, v21;
	[tilespmem:s22+$0x5480] =	vst v18  }
0xb0: {  	v39 =	vor.u32 $0xC, v21;
	v38 =	vld.idx.msk [tilespmem:v17+s1+$0x0], $0xffff;
	[tilespmem:s22+$0x5500] =	vst v19  }
0xb1: {  	v40 =	vor.u32 $0xD, v21;
	v32 =	vld.idx.msk [tilespmem:v32+s1+$0x0], $0xffff;
	[tilespmem:s22+$0x5580] =	vst v20  }
0xb2: {  	v17 =	vld.idx.msk [tilespmem:v15+s1+$0x0], $0xffff;
	v15 =	vor.u32 $0xE, v21;
	[tilespmem:s22+$0x5600] =	vst v23  }
0xb3: {  	v18 =	vld.idx.msk [tilespmem:v36+s1+$0x0], $0xffff;
	[tilespmem:s22+$0x5680] =	vst v22  }
0xb4: {  	s23 =	sadd.s32 $0x20, s23;
	s26 =	sadd.s32 $0x100, s26;
	v19 =	vld.idx.msk [tilespmem:v37+s1+$0x0], $0xffff;
	[tilespmem:s22+$0x5700] =	vst v26  }
0xb5: {  	s28 =	sand.u32 $0x60, s23;
	s29 =	sand.u32 $0xC00, s26;
	v20 =	vld.idx.msk [tilespmem:v39+s1+$0x0], $0xffff;
	[tilespmem:s22+$0x5780] =	vst v29  }
0xb6: {  	v21 =	vld.idx.msk [tilespmem:v40+s1+$0x0], $0xffff;
	[tilespmem:s22+$0x4400] =	vst v33;
	s22 =	sor.u32 s28, s29  }
0xb7: {  	v22 =	vld.idx.msk [tilespmem:v15+s1+$0x0], $0xffff;
	[tilespmem:s22+$0x5790] =	vst v32  }
0xb8: {  	v15 =	vld.idx.msk [tilespmem:v24+s1+$0x0], $0xffff;
	[tilespmem:s22+$0x4490] =	vst v14  }
0xb9: {  	v14 =	vld.idx.msk [tilespmem:v25+s1+$0x0], $0xffff;
	[tilespmem:s22+$0x4510] =	vst v13  }
0xba: {  	v13 =	vld.idx.msk [tilespmem:v27+s1+$0x0], $0xffff;
	[tilespmem:s22+$0x4590] =	vst v11  }
.Ltmp1:
0xbb: {  	v11 =	vld.idx.msk [tilespmem:v28+s1+$0x0], $0xffff;
	[tilespmem:s22+$0x4610] =	vst v7;
	(pc) =	sbr.rel @p0 .LBB2_5-.Ltmp1, $4  }
0xbc: {  	v7 =	vld.idx.msk [tilespmem:v30+s1+$0x0], $0xffff;
	[tilespmem:s22+$0x4690] =	vst v8  }
0xbd: {  	v8 =	vld.idx.msk [tilespmem:v31+s1+$0x0], $0xffff;
	[tilespmem:s22+$0x4710] =	vst v12  }
0xbe: {  	v12 =	vld.idx.msk [tilespmem:v34+s1+$0x0], $0xffff;
	[tilespmem:s22+$0x4790] =	vst v16  }
0xbf: {  	s25 =	sadd.s32 $0x20, s25;
	v16 =	vld.idx.msk [tilespmem:v35+s1+$0x0], $0xffff;
	[tilespmem:s22+$0x5410] =	vst v38  }
0xc0: {  	_ =	sdelay $0x3  }
0xc1: {  	v9 =	vld.idx.msk [tilespmem:v9+s1+$0x0], $0xffff;
	[tilespmem:s22+$0x5490] =	vst v17  }
0xc2: {  	v6 =	vld.idx.msk [tilespmem:v6+s1+$0x0], $0xffff;
	[tilespmem:s22+$0x5510] =	vst v18  }
0xc3: {  	v10 =	vld.idx.msk [tilespmem:v10+s1+$0x0], $0xffff;
	[tilespmem:s22+$0x5590] =	vst v19  }
0xc4: {  	v4 =	vld.idx.msk [tilespmem:v4+s1+$0x0], $0xffff;
	[tilespmem:s22+$0x5610] =	vst v20  }
0xc5: {  	v5 =	vld.idx.msk [tilespmem:v5+s1+$0x0], $0xffff;
	[tilespmem:s22+$0x5690] =	vst v21  }
0xc6: {  	v3 =	vld.idx.msk [tilespmem:v3+s1+$0x0], $0xffff;
	[tilespmem:s22+$0x5710] =	vst v22  }
0xc7: {  	v2 =	vld.idx.msk [tilespmem:v2+s1+$0x0], $0xffff;
	[tilespmem:s22+$0x4410] =	vst v1  }
0xc8: {  	v0 =	vld.idx.msk [tilespmem:v0+s1+$0x0], $0xffff;
	[tilespmem:s22+$0x4480] =	vst v15  }
0xc9: {  	[tilespmem:s22+$0x4500] =	vst v14  }
0xca: {  	[tilespmem:s22+$0x4580] =	vst v13  }
0xcb: {  	[tilespmem:s22+$0x4600] =	vst v11  }
0xcc: {  	[tilespmem:s22+$0x4680] =	vst v7  }
0xcd: {  	[tilespmem:s22+$0x4700] =	vst v8  }
0xce: {  	[tilespmem:s22+$0x4780] =	vst v12  }
0xcf: {  	[tilespmem:s22+$0x5400] =	vst v16  }
0xd0: {  	[tilespmem:s22+$0x5480] =	vst v9  }
0xd1: {  	[tilespmem:s22+$0x5500] =	vst v6  }
0xd2: {  	s20 =	sadd.s32 $0x1, s20;
	[tilespmem:s22+$0x5580] =	vst v10  }
0xd3: {  	p0 =	sne.s32 s20, $0x40;
	[tilespmem:s22+$0x5600] =	vst v4  }
.Ltmp2:
0xd4: {  	[tilespmem:s22+$0x5680] =	vst v5;
	(pc) =	sbr.rel @p0 .LBB2_2-.Ltmp2, $4  }
0xd5: {  	s21 =	sshll.u32 s21, $0xA;
	[tilespmem:s22+$0x5700] =	vst v3  }
0xd6: {  	s21 =	sand.u32 $0x7FC00, s21;
	[tilespmem:s22+$0x5780] =	vst v2  }
0xd7: {  	s21 =	sadd.s32 s21, s7;
	[tilespmem:s22+$0x4400] =	vst v0  }
0xd8: {  	[hbm4b:s21+s1] =	stream.linear.scatter [tilespmem:s16], [sflag:$0x4], $0x2000, $0x38;
	[tilespmem:$0x6400] =	vst v63  }
0xd9: {  	s19 =	sadd.s32 $0x1, s19  }
0xda: {  	_ =	swait.ge [sflag:s17], $0x2000;
	p0 =	sne.s32 s19, s8  }
.Ltmp3:
0xdb: {  	[sflag:s17] =	ssyncset.done $0x0;
	(pc) =	sbr.rel @p0 .LBB2_1-.Ltmp3, $4  }
0xdc: {  	[sflag:s17] =	ssyncadd.s32 $0xFFFFE000  }
0xdd: {  	_ =	swait.ge [sflag:s18], $0x2000  }
0xde: {  	[sflag:s18] =	ssyncset.done $0x0  }
0xdf: {  	[sflag:s18] =	ssyncadd.s32 $0xFFFFE000  }
0xe0: {  	_ =	sfence.sel $0x180000  }
0xe1: {  	[bflag:$0x0] =	sbarrier.arrive $0xFFFF  }
0xe2: {  	p0 =	sne.s32 s2, $0x0;
	_ =	strace $0x90000047  }
0xe3: {  	s0 =	sadd.s32 @!p0 $0x100000, s0;
	[bflag:$0x2] =	sbarrier.arrive $0xFFFF  }
0xe4: {  	[sflag:s0] =	ssyncadd.tile.s32 @!p0 $0x1;
	_ =	shalt  }
.Lfunc_end2:
_tile_overlayer_lowered:
.L_overlay_start_2:
0xe5: {  	(tag) =	ssettag $0x2  }
0xe6: {  	s0 =	rddreg [dreg:$0x0];
	s2 =	stileid.u32  }
0xe7: {  	s1 =	rddreg [dreg:$0x1];
	p0 =	sne.s32 s2, $0x0  }
0xe8: {  	s3 =	rddreg [dreg:$0x2];
	[bflag:$0x3] =	sbarrier.arrive $0xFFFF;
	s2 =	simm.s32 @!p0 $0x1C05  }
0xe9: {  	[timem:s3], [sflag:s2] =	dma.local @!p0 [hbm:s0], s1  }
0xea: {  	s0 =	simm.s32 @!p0 $0x5  }
0xeb: {  	_ =	swait.ge @!p0 [sflag:s0], s1  }
0xec: {  	s1 =	ssub.s32 @!p0 $0x0, s1;
	[sflag:s0] =	ssyncset.done @!p0 $0x0  }
0xed: {  	[sflag:s0] =	ssyncadd.s32 @!p0 s1  }
0xee: {  	[bflag:$0x3] =	sbarrier.arrive $0xFFFF  }
0xef: {  	_ =	shalt  }

</sc_bundles>
